<compile_context>
chip_gen: v7x
topology: tpu7x:2x2x1
jax: 0.10.2.dev20260603
libtpu: 0.0.44.dev20260713+nightly
codegen_flags: <defaults>
</compile_context>

<pallas_src>
import functools

import jax
import jax.numpy as jnp
import numpy as np
from jax import lax
from jax.experimental import pallas as pl
from jax.experimental.pallas import tpu as pltpu
from jax.experimental.pallas import tpu_sc as plsc

B = 16384
L = 12
VOCAB = 10000
D = 64

_INFO = plsc.get_sparse_core_info()
_NC = _INFO.num_cores
_NS = _INFO.num_subcores
_NW = _NC * _NS
_SEQ_PER_W = B // _NW
_IDX_PER_W = _SEQ_PER_W * L
_CHUNK_SEQ = 32
_CHUNK_IDX = _CHUNK_SEQ * L
_N_CHUNKS = _SEQ_PER_W // _CHUNK_SEQ
_STREAMS = _CHUNK_IDX // 128
_HALF = B // 2

_PERM = np.empty((D,), dtype=np.int32)
for _h in range(D // 32):
    for _i in range(16):
        _PERM[32 * _h + 2 * _i] = 32 * _h + _i
        _PERM[32 * _h + 2 * _i + 1] = 32 * _h + 16 + _i



def _table_body(e_ref, w_ref, out_ref):
    prod = lax.dot_general(
        e_ref[...], w_ref[...],
        dimension_numbers=(((1,), (1,)), ((), ())),
        preferred_element_type=jnp.float32,
    )
    out_ref[...] = (prod * (1.0 / L)).astype(jnp.bfloat16)


def _transform_table(emb_table, W):
    return pl.pallas_call(
        _table_body,
        out_shape=jax.ShapeDtypeStruct((VOCAB, D), jnp.bfloat16),
    )(emb_table, W[_PERM])



def _sc_body(table_hbm, idx_hbm, out_hbm, idx_v, rows0, rows1, out_v,
             sem0, sem1):
    wid = lax.axis_index("s") * _NC + lax.axis_index("c")
    base_idx = wid * _IDX_PER_W

    pltpu.sync_copy(idx_hbm.at[pl.ds(base_idx, _IDX_PER_W)], idx_v)

    bufs = (rows0, rows1)
    sems = (sem0, sem1)
    lo_mask = jnp.full((16,), -65536, dtype=jnp.int32)

    def copies(c, k):
        buf, sem = bufs[k], sems[k]
        return [
            pltpu.make_async_copy(
                table_hbm.at[idx_v.at[pl.ds(c * _CHUNK_IDX + j * 128, 128)]],
                buf.at[pl.ds(j * 128, 128)],
                sem,
            )
            for j in range(_STREAMS)
        ]

    def fire(c, k):
        for h in copies(c, k):
            h.start()

    def drain(c, k):
        for h in copies(c, k):
            h.wait()

    def compute(c, k):
        buf = bufs[k]

        def seq_body(s, _):
            base = s * L
            accs = [None] * 4
            for l in range(L):
                for h in range(2):
                    w = plsc.bitcast(buf[base + l, pl.ds(32 * h, 32)],
                                     jnp.int32)
                    lo = plsc.bitcast(w << 16, jnp.float32)
                    hi = plsc.bitcast(w & lo_mask, jnp.float32)
                    if l == 0:
                        accs[2 * h] = lo
                        accs[2 * h + 1] = hi
                    else:
                        accs[2 * h] = accs[2 * h] + lo
                        accs[2 * h + 1] = accs[2 * h + 1] + hi
            for q in range(4):
                out_v[c * _CHUNK_SEQ + s, pl.ds(q * 16, 16)] = accs[q]
            return 0

        lax.fori_loop(0, _CHUNK_SEQ, seq_body, 0, unroll=2)

    fire(0, 0)

    def pair_body(p):
        c0 = p * 2
        c1 = c0 + 1
        fire(c1, 1)
        drain(c0, 0)
        compute(c0, 0)

        @pl.when(c1 + 1 < _N_CHUNKS)
        def _():
            fire(c1 + 1, 0)

        drain(c1, 1)
        compute(c1, 1)

    pl.loop(0, _N_CHUNKS // 2)(pair_body)

    half = wid // _NS
    row0 = (wid % _NS) * _SEQ_PER_W
    pltpu.sync_copy(
        out_v,
        out_hbm.at[pl.ds(row0, _SEQ_PER_W), pl.ds(half * D, D)],
    )


@functools.partial(
    pl.kernel,
    out_type=jax.ShapeDtypeStruct((_HALF, 2 * D), jnp.float32),
    mesh=plsc.VectorSubcoreMesh(core_axis_name="c", subcore_axis_name="s"),
    compiler_params=pltpu.CompilerParams(use_tc_tiling_on_sc=False,
                                         needs_layout_passes=False),
    scratch_types=[
        pltpu.VMEM((_IDX_PER_W,), jnp.int32),
        pltpu.VMEM((_CHUNK_IDX, D), jnp.bfloat16),
        pltpu.VMEM((_CHUNK_IDX, D), jnp.bfloat16),
        pltpu.VMEM((_SEQ_PER_W, D), jnp.float32),
        pltpu.SemaphoreType.DMA,
        pltpu.SemaphoreType.DMA,
    ],
)
def _sc_gather_pool(table_hbm, idx_hbm, out_hbm, idx_v, rows0, rows1, out_v,
                    sem0, sem1):
    _sc_body(table_hbm, idx_hbm, out_hbm, idx_v, rows0, rows1, out_v,
             sem0, sem1)



_EPI_ROWS = 1024
_K8 = _HALF // _EPI_ROWS


def _epi_body(i_ref, b_ref, o_ref):
    half = pl.program_id(0) // _K8
    x = i_ref[...]
    o_ref[...] = jnp.where(half == 0, x[:, :D], x[:, D:]) + b_ref[...]


def _epilogue(packed, b):
    return pl.pallas_call(
        _epi_body,
        grid=(B // _EPI_ROWS,),
        in_specs=[
            pl.BlockSpec((_EPI_ROWS, 2 * D), lambda j: (j % _K8, 0)),
            pl.BlockSpec((1, D), lambda j: (0, 0)),
        ],
        out_specs=pl.BlockSpec((_EPI_ROWS, D), lambda j: (j, 0)),
        out_shape=jax.ShapeDtypeStruct((B, D), jnp.float32),
    )(packed, b.reshape(1, D))



@jax.jit
def kernel(input_ids, emb_table, W, b):
    table2 = _transform_table(emb_table, W)
    idx = input_ids.astype(jnp.int32).reshape(-1)
    packed = _sc_gather_pool(table2, idx)
    return _epilogue(packed, b)

# --- scband reference (transcript-rebuilt; emitter-appended) ---
"""Pipeline reference for scband-simple-encoder-9895604650612 (READ-ONLY COPY).

The authoritative reference and input builder live on the scoring server;
editing this copy changes nothing except your own understanding.
"""

import jax, jax.numpy as jnp
import numpy as np

B = 16384
L = 12
VOCAB = 10000
D = 64

def setup_inputs(seed: int = 0) -> dict:
    key = jax.random.key(seed)
    k1, k2, k3, k4 = jax.random.split(key, 4)
    input_ids = jax.random.randint(k1, (B, L), 0, VOCAB, dtype=jnp.int64) if jax.config.jax_enable_x64 else jax.random.randint(k1, (B, L), 0, VOCAB, dtype=jnp.int32)
    emb_table = jax.random.normal(k2, (VOCAB, D), dtype=jnp.float32) * 0.02
    W = jax.random.normal(k3, (D, D), dtype=jnp.float32) * (1.0 / np.sqrt(D))
    b = jnp.zeros((D,), dtype=jnp.float32)
    return {"input_ids": input_ids, "emb_table": emb_table, "W": W, "b": b}

def reference(input_ids, emb_table, W, b):
    # nn.Embedding lookup -> gather rows
    emb = jnp.take(emb_table, input_ids, axis=0)  # [B, L, D]
    # mean over sequence dim
    pooled = jnp.mean(emb, axis=1)  # [B, D]
    # nn.Linear: y = x @ W.T + b
    out = pooled @ W.T + b
    return out

if __name__ == "__main__":
    import jax
    _d = setup_inputs()
    print(jax.jit(kernel)(*tuple(_d.values())))

</pallas_src>

<mosaic_0001>
#map = affine_map<(d0, d1) -> (0, 0)>
#map1 = affine_map<(d0, d1) -> (0)>
module attributes {stable_mosaic.version = 14 : i64} {
  func.func @_sc_gather_pool(%arg0: i32, %arg1: i32, %arg2: memref<10000x64xbf16, #tpu.memory_space<hbm>>, %arg3: memref<196608xi32, #tpu.memory_space<hbm>>, %arg4: memref<8192x128xf32, #tpu.memory_space<hbm>>, %arg5: memref<6144xi32, #tpu.memory_space<vmem>>, %arg6: memref<384x64xbf16, #tpu.memory_space<vmem>>, %arg7: memref<384x64xbf16, #tpu.memory_space<vmem>>, %arg8: memref<512x64xf32, #tpu.memory_space<vmem>>, %arg9: memref<!tpu.dma_semaphore, #tpu.memory_space<semaphore_mem>>, %arg10: memref<!tpu.dma_semaphore, #tpu.memory_space<semaphore_mem>>) attributes {dimension_semantics = [#tpu.dimension_semantics<core_parallel>, #tpu.dimension_semantics<subcore_parallel>], iteration_bounds = array<i64: 2, 16>, scalar_prefetch = 0 : i64, scratch_operands = 6 : i64, tpu.core_type = #tpu.core_type<sc_vector_subcore>, window_params = [{transform_indices = #map}, {transform_indices = #map1}, {transform_indices = #map}]} {
    %mul3A = arith.constant 2 : i32
    %mul3A_0 = arith.muli %arg1, %mul3A : i32
    %add3A = arith.addi %mul3A_0, %arg0 : i32
    %mul3A_1 = arith.constant 6144 : i32
    %mul3A_2 = arith.muli %add3A, %mul3A_1 : i32
    "tpu.region"() ({
      %run_scoped3A = tpu.sem_alloc : memref<!tpu.dma_semaphore, #tpu.memory_space<semaphore_mem>>
      %dma_start3A_65 = tpu.memref_slice %arg3[%mul3A_2] : memref<196608xi32, #tpu.memory_space<hbm>> -> memref<6144xi32, #tpu.memory_space<hbm>>
      %dma_start3A_66 = tpu.memref_slice %arg3[%mul3A_2] : memref<196608xi32, #tpu.memory_space<hbm>> -> memref<6144xi32, #tpu.memory_space<hbm>>
      tpu.enqueue_dma source(%dma_start3A_66 : memref<6144xi32, #tpu.memory_space<hbm>>) target(%arg5 : memref<6144xi32, #tpu.memory_space<vmem>>) target_semaphore(%run_scoped3A : memref<!tpu.dma_semaphore, #tpu.memory_space<semaphore_mem>>)
      %dma_wait3A = tpu.memref_slice %arg3[%mul3A_2] : memref<196608xi32, #tpu.memory_space<hbm>> -> memref<6144xi32, #tpu.memory_space<hbm>>
      %dma_wait3A_67 = tpu.memref_slice %arg3[%mul3A_2] : memref<196608xi32, #tpu.memory_space<hbm>> -> memref<6144xi32, #tpu.memory_space<hbm>>
      tpu.wait_dma2 semaphore(%run_scoped3A : memref<!tpu.dma_semaphore, #tpu.memory_space<semaphore_mem>>) src(%dma_wait3A_67 : memref<6144xi32, #tpu.memory_space<hbm>>) dst(%arg5 : memref<6144xi32, #tpu.memory_space<vmem>>)
      tpu.yield
    }) : () -> ()
    %broadcast_in_dim3A = arith.constant -65536 : i32
    %broadcast_in_dim3A_3 = vector.broadcast %broadcast_in_dim3A : i32 to vector<16xi32>
    %dma_start3A = arith.constant 0 : i32
    %dma_start3A_4 = arith.constant 0 : i32
    %dma_start3A_5 = tpu.memref_slice %arg6[%dma_start3A, %dma_start3A_4] : memref<384x64xbf16, #tpu.memory_space<vmem>> -> memref<128x64xbf16, #tpu.memory_space<vmem>>
    %dma_start3A_6 = arith.constant 0 : i32
    %dma_start3A_7 = tpu.memref_slice %arg5[%dma_start3A_6] : memref<6144xi32, #tpu.memory_space<vmem>> -> memref<128xi32, #tpu.memory_space<vmem>>
    %dma_start3A_8 = arith.constant 0 : i32
    %dma_start3A_9 = arith.constant 0 : i32
    %dma_start3A_10 = tpu.memref_slice %arg2[%dma_start3A_8, %dma_start3A_9] : memref<10000x64xbf16, #tpu.memory_space<hbm>> -> memref<10000x64xbf16, #tpu.memory_space<hbm>>
    tpu.enqueue_indirect_dma source(%dma_start3A_10 : memref<10000x64xbf16, #tpu.memory_space<hbm>>) target(%dma_start3A_5 : memref<128x64xbf16, #tpu.memory_space<vmem>>) offsets(%dma_start3A_7 : memref<128xi32, #tpu.memory_space<vmem>>) semaphore(%arg9 : memref<!tpu.dma_semaphore, #tpu.memory_space<semaphore_mem>>)
    %dma_start3A_11 = arith.constant 128 : i32
    %dma_start3A_12 = arith.constant 0 : i32
    %dma_start3A_13 = tpu.memref_slice %arg6[%dma_start3A_11, %dma_start3A_12] : memref<384x64xbf16, #tpu.memory_space<vmem>> -> memref<128x64xbf16, #tpu.memory_space<vmem>>
    %dma_start3A_14 = arith.constant 128 : i32
    %dma_start3A_15 = tpu.memref_slice %arg5[%dma_start3A_14] : memref<6144xi32, #tpu.memory_space<vmem>> -> memref<128xi32, #tpu.memory_space<vmem>>
    %dma_start3A_16 = arith.constant 0 : i32
    %dma_start3A_17 = arith.constant 0 : i32
    %dma_start3A_18 = tpu.memref_slice %arg2[%dma_start3A_16, %dma_start3A_17] : memref<10000x64xbf16, #tpu.memory_space<hbm>> -> memref<10000x64xbf16, #tpu.memory_space<hbm>>
    tpu.enqueue_indirect_dma source(%dma_start3A_18 : memref<10000x64xbf16, #tpu.memory_space<hbm>>) target(%dma_start3A_13 : memref<128x64xbf16, #tpu.memory_space<vmem>>) offsets(%dma_start3A_15 : memref<128xi32, #tpu.memory_space<vmem>>) semaphore(%arg9 : memref<!tpu.dma_semaphore, #tpu.memory_space<semaphore_mem>>)
    %dma_start3A_19 = arith.constant 256 : i32
    %dma_start3A_20 = arith.constant 0 : i32
    %dma_start3A_21 = tpu.memref_slice %arg6[%dma_start3A_19, %dma_start3A_20] : memref<384x64xbf16, #tpu.memory_space<vmem>> -> memref<128x64xbf16, #tpu.memory_space<vmem>>
    %dma_start3A_22 = arith.constant 256 : i32
    %dma_start3A_23 = tpu.memref_slice %arg5[%dma_start3A_22] : memref<6144xi32, #tpu.memory_space<vmem>> -> memref<128xi32, #tpu.memory_space<vmem>>
    %dma_start3A_24 = arith.constant 0 : i32
    %dma_start3A_25 = arith.constant 0 : i32
    %dma_start3A_26 = tpu.memref_slice %arg2[%dma_start3A_24, %dma_start3A_25] : memref<10000x64xbf16, #tpu.memory_space<hbm>> -> memref<10000x64xbf16, #tpu.memory_space<hbm>>
    tpu.enqueue_indirect_dma source(%dma_start3A_26 : memref<10000x64xbf16, #tpu.memory_space<hbm>>) target(%dma_start3A_21 : memref<128x64xbf16, #tpu.memory_space<vmem>>) offsets(%dma_start3A_23 : memref<128xi32, #tpu.memory_space<vmem>>) semaphore(%arg9 : memref<!tpu.dma_semaphore, #tpu.memory_space<semaphore_mem>>)
    %scan3A = arith.constant 0 : i32
    %scan3A_27 = arith.constant 8 : i32
    %scan3A_28 = arith.addi %scan3A, %scan3A_27 : i32
    %scan3A_29 = arith.constant 1 : i32
    scf.for %scan3A_65 = %scan3A to %scan3A_28 step %scan3A_29  : i32 {
      %mul3A_66 = arith.constant 1 : i32
      %mul3A_67 = arith.muli %scan3A_65, %mul3A_66 : i32
      %add3A_68 = arith.constant 0 : i32
      %add3A_69 = arith.addi %add3A_68, %mul3A_67 : i32
      %mul3A_70 = arith.constant 2 : i32
      %mul3A_71 = arith.muli %add3A_69, %mul3A_70 : i32
      %add3A_72 = arith.constant 1 : i32
      %add3A_73 = arith.addi %mul3A_71, %add3A_72 : i32
      %mul3A_74 = arith.constant 384 : i32
      %mul3A_75 = arith.muli %add3A_73, %mul3A_74 : i32
      %add3A_76 = arith.constant 0 : i32
      %add3A_77 = arith.addi %mul3A_75, %add3A_76 : i32
      %mul3A_78 = arith.constant 384 : i32
      %mul3A_79 = arith.muli %add3A_73, %mul3A_78 : i32
      %add3A_80 = arith.constant 128 : i32
      %add3A_81 = arith.addi %mul3A_79, %add3A_80 : i32
      %mul3A_82 = arith.constant 384 : i32
      %mul3A_83 = arith.muli %add3A_73, %mul3A_82 : i32
      %add3A_84 = arith.constant 256 : i32
      %add3A_85 = arith.addi %mul3A_83, %add3A_84 : i32
      %dma_start3A_86 = arith.constant 0 : i32
      %dma_start3A_87 = arith.constant 0 : i32
      %dma_start3A_88 = tpu.memref_slice %arg7[%dma_start3A_86, %dma_start3A_87] : memref<384x64xbf16, #tpu.memory_space<vmem>> -> memref<128x64xbf16, #tpu.memory_space<vmem>>
      %dma_start3A_89 = tpu.memref_slice %arg5[%add3A_77] : memref<6144xi32, #tpu.memory_space<vmem>> -> memref<128xi32, #tpu.memory_space<vmem>>
      %dma_start3A_90 = arith.constant 0 : i32
      %dma_start3A_91 = arith.constant 0 : i32
      %dma_start3A_92 = tpu.memref_slice %arg2[%dma_start3A_90, %dma_start3A_91] : memref<10000x64xbf16, #tpu.memory_space<hbm>> -> memref<10000x64xbf16, #tpu.memory_space<hbm>>
      tpu.enqueue_indirect_dma source(%dma_start3A_92 : memref<10000x64xbf16, #tpu.memory_space<hbm>>) target(%dma_start3A_88 : memref<128x64xbf16, #tpu.memory_space<vmem>>) offsets(%dma_start3A_89 : memref<128xi32, #tpu.memory_space<vmem>>) semaphore(%arg10 : memref<!tpu.dma_semaphore, #tpu.memory_space<semaphore_mem>>)
      %dma_start3A_93 = arith.constant 128 : i32
      %dma_start3A_94 = arith.constant 0 : i32
      %dma_start3A_95 = tpu.memref_slice %arg7[%dma_start3A_93, %dma_start3A_94] : memref<384x64xbf16, #tpu.memory_space<vmem>> -> memref<128x64xbf16, #tpu.memory_space<vmem>>
      %dma_start3A_96 = tpu.memref_slice %arg5[%add3A_81] : memref<6144xi32, #tpu.memory_space<vmem>> -> memref<128xi32, #tpu.memory_space<vmem>>
      %dma_start3A_97 = arith.constant 0 : i32
      %dma_start3A_98 = arith.constant 0 : i32
      %dma_start3A_99 = tpu.memref_slice %arg2[%dma_start3A_97, %dma_start3A_98] : memref<10000x64xbf16, #tpu.memory_space<hbm>> -> memref<10000x64xbf16, #tpu.memory_space<hbm>>
      tpu.enqueue_indirect_dma source(%dma_start3A_99 : memref<10000x64xbf16, #tpu.memory_space<hbm>>) target(%dma_start3A_95 : memref<128x64xbf16, #tpu.memory_space<vmem>>) offsets(%dma_start3A_96 : memref<128xi32, #tpu.memory_space<vmem>>) semaphore(%arg10 : memref<!tpu.dma_semaphore, #tpu.memory_space<semaphore_mem>>)
      %dma_start3A_100 = arith.constant 256 : i32
      %dma_start3A_101 = arith.constant 0 : i32
      %dma_start3A_102 = tpu.memref_slice %arg7[%dma_start3A_100, %dma_start3A_101] : memref<384x64xbf16, #tpu.memory_space<vmem>> -> memref<128x64xbf16, #tpu.memory_space<vmem>>
      %dma_start3A_103 = tpu.memref_slice %arg5[%add3A_85] : memref<6144xi32, #tpu.memory_space<vmem>> -> memref<128xi32, #tpu.memory_space<vmem>>
      %dma_start3A_104 = arith.constant 0 : i32
      %dma_start3A_105 = arith.constant 0 : i32
      %dma_start3A_106 = tpu.memref_slice %arg2[%dma_start3A_104, %dma_start3A_105] : memref<10000x64xbf16, #tpu.memory_space<hbm>> -> memref<10000x64xbf16, #tpu.memory_space<hbm>>
      tpu.enqueue_indirect_dma source(%dma_start3A_106 : memref<10000x64xbf16, #tpu.memory_space<hbm>>) target(%dma_start3A_102 : memref<128x64xbf16, #tpu.memory_space<vmem>>) offsets(%dma_start3A_103 : memref<128xi32, #tpu.memory_space<vmem>>) semaphore(%arg10 : memref<!tpu.dma_semaphore, #tpu.memory_space<semaphore_mem>>)
      %mul3A_107 = arith.constant 384 : i32
      %mul3A_108 = arith.muli %mul3A_71, %mul3A_107 : i32
      %add3A_109 = arith.constant 0 : i32
      %add3A_110 = arith.addi %mul3A_108, %add3A_109 : i32
      %mul3A_111 = arith.constant 384 : i32
      %mul3A_112 = arith.muli %mul3A_71, %mul3A_111 : i32
      %add3A_113 = arith.constant 128 : i32
      %add3A_114 = arith.addi %mul3A_112, %add3A_113 : i32
      %mul3A_115 = arith.constant 384 : i32
      %mul3A_116 = arith.muli %mul3A_71, %mul3A_115 : i32
      %add3A_117 = arith.constant 256 : i32
      %add3A_118 = arith.addi %mul3A_116, %add3A_117 : i32
      %dma_wait3A = arith.constant 0 : i32
      %dma_wait3A_119 = arith.constant 0 : i32
      %dma_wait3A_120 = tpu.memref_slice %arg6[%dma_wait3A, %dma_wait3A_119] : memref<384x64xbf16, #tpu.memory_space<vmem>> -> memref<128x64xbf16, #tpu.memory_space<vmem>>
      %dma_wait3A_121 = tpu.memref_slice %arg5[%add3A_110] : memref<6144xi32, #tpu.memory_space<vmem>> -> memref<128xi32, #tpu.memory_space<vmem>>
      %dma_wait3A_122 = arith.constant 0 : i32
      %dma_wait3A_123 = arith.constant 0 : i32
      %dma_wait3A_124 = tpu.memref_slice %arg2[%dma_wait3A_122, %dma_wait3A_123] : memref<10000x64xbf16, #tpu.memory_space<hbm>> -> memref<10000x64xbf16, #tpu.memory_space<hbm>>
      tpu.wait_indirect_dma semaphore(%arg9 : memref<!tpu.dma_semaphore, #tpu.memory_space<semaphore_mem>>) src(%dma_wait3A_124 : memref<10000x64xbf16, #tpu.memory_space<hbm>>) dst(%dma_wait3A_120 : memref<128x64xbf16, #tpu.memory_space<vmem>>)
      %dma_wait3A_125 = arith.constant 128 : i32
      %dma_wait3A_126 = arith.constant 0 : i32
      %dma_wait3A_127 = tpu.memref_slice %arg6[%dma_wait3A_125, %dma_wait3A_126] : memref<384x64xbf16, #tpu.memory_space<vmem>> -> memref<128x64xbf16, #tpu.memory_space<vmem>>
      %dma_wait3A_128 = tpu.memref_slice %arg5[%add3A_114] : memref<6144xi32, #tpu.memory_space<vmem>> -> memref<128xi32, #tpu.memory_space<vmem>>
      %dma_wait3A_129 = arith.constant 0 : i32
      %dma_wait3A_130 = arith.constant 0 : i32
      %dma_wait3A_131 = tpu.memref_slice %arg2[%dma_wait3A_129, %dma_wait3A_130] : memref<10000x64xbf16, #tpu.memory_space<hbm>> -> memref<10000x64xbf16, #tpu.memory_space<hbm>>
      tpu.wait_indirect_dma semaphore(%arg9 : memref<!tpu.dma_semaphore, #tpu.memory_space<semaphore_mem>>) src(%dma_wait3A_131 : memref<10000x64xbf16, #tpu.memory_space<hbm>>) dst(%dma_wait3A_127 : memref<128x64xbf16, #tpu.memory_space<vmem>>)
      %dma_wait3A_132 = arith.constant 256 : i32
      %dma_wait3A_133 = arith.constant 0 : i32
      %dma_wait3A_134 = tpu.memref_slice %arg6[%dma_wait3A_132, %dma_wait3A_133] : memref<384x64xbf16, #tpu.memory_space<vmem>> -> memref<128x64xbf16, #tpu.memory_space<vmem>>
      %dma_wait3A_135 = tpu.memref_slice %arg5[%add3A_118] : memref<6144xi32, #tpu.memory_space<vmem>> -> memref<128xi32, #tpu.memory_space<vmem>>
      %dma_wait3A_136 = arith.constant 0 : i32
      %dma_wait3A_137 = arith.constant 0 : i32
      %dma_wait3A_138 = tpu.memref_slice %arg2[%dma_wait3A_136, %dma_wait3A_137] : memref<10000x64xbf16, #tpu.memory_space<hbm>> -> memref<10000x64xbf16, #tpu.memory_space<hbm>>
      tpu.wait_indirect_dma semaphore(%arg9 : memref<!tpu.dma_semaphore, #tpu.memory_space<semaphore_mem>>) src(%dma_wait3A_138 : memref<10000x64xbf16, #tpu.memory_space<hbm>>) dst(%dma_wait3A_134 : memref<128x64xbf16, #tpu.memory_space<vmem>>)
      %scan3A_139 = arith.constant 0 : i32
      %scan3A_140 = arith.constant 0 : i32
      %scan3A_141 = arith.constant 32 : i32
      %scan3A_142 = arith.addi %scan3A_140, %scan3A_141 : i32
      %scan3A_143 = arith.constant 2 : i32
      %scan3A_144 = scf.for %scan3A_191 = %scan3A_140 to %scan3A_142 step %scan3A_143 iter_args(%scan3A_192 = %scan3A_139) -> (i32)  : i32 {
        %mul3A_193 = arith.constant 12 : i32
        %mul3A_194 = arith.muli %scan3A_191, %mul3A_193 : i32
        %add3A_195 = arith.constant 0 : i32
        %add3A_196 = arith.addi %mul3A_194, %add3A_195 : i32
        %get3A = arith.index_cast %add3A_196 : i32 to index
        %get3A_197 = arith.constant 0 : index
        %get3A_198 = tpu.vector_load %arg6[%get3A, %get3A_197] {strides = array<i32>} : memref<384x64xbf16, #tpu.memory_space<vmem>>, vector<32xbf16>,
        %bitcast3A = vector.bitcast %get3A_198 : vector<32xbf16> to vector<16xi32>
        %shift_left3A = arith.constant 16 : i32
        %shift_left3A_199 = vector.broadcast %shift_left3A : i32 to vector<16xi32>
        %shift_left3A_200 = arith.shli %bitcast3A, %shift_left3A_199 : vector<16xi32>
        %bitcast3A_201 = vector.bitcast %shift_left3A_200 : vector<16xi32> to vector<16xf32>
        %and3A_202 = arith.andi %bitcast3A, %broadcast_in_dim3A_3 : vector<16xi32>
        %bitcast3A_203 = vector.bitcast %and3A_202 : vector<16xi32> to vector<16xf32>
        %add3A_204 = arith.constant 0 : i32
        %add3A_205 = arith.addi %mul3A_194, %add3A_204 : i32
        %get3A_206 = arith.index_cast %add3A_205 : i32 to index
        %get3A_207 = arith.constant 32 : index
        %get3A_208 = tpu.vector_load %arg6[%get3A_206, %get3A_207] {strides = array<i32>} : memref<384x64xbf16, #tpu.memory_space<vmem>>, vector<32xbf16>,
        %bitcast3A_209 = vector.bitcast %get3A_208 : vector<32xbf16> to vector<16xi32>
        %shift_left3A_210 = arith.constant 16 : i32
        %shift_left3A_211 = vector.broadcast %shift_left3A_210 : i32 to vector<16xi32>
        %shift_left3A_212 = arith.shli %bitcast3A_209, %shift_left3A_211 : vector<16xi32>
        %bitcast3A_213 = vector.bitcast %shift_left3A_212 : vector<16xi32> to vector<16xf32>
        %and3A_214 = arith.andi %bitcast3A_209, %broadcast_in_dim3A_3 : vector<16xi32>
        %bitcast3A_215 = vector.bitcast %and3A_214 : vector<16xi32> to vector<16xf32>
        %add3A_216 = arith.constant 1 : i32
        %add3A_217 = arith.addi %mul3A_194, %add3A_216 : i32
        %get3A_218 = arith.index_cast %add3A_217 : i32 to index
        %get3A_219 = arith.constant 0 : index
        %get3A_220 = tpu.vector_load %arg6[%get3A_218, %get3A_219] {strides = array<i32>} : memref<384x64xbf16, #tpu.memory_space<vmem>>, vector<32xbf16>,
        %bitcast3A_221 = vector.bitcast %get3A_220 : vector<32xbf16> to vector<16xi32>
        %shift_left3A_222 = arith.constant 16 : i32
        %shift_left3A_223 = vector.broadcast %shift_left3A_222 : i32 to vector<16xi32>
        %shift_left3A_224 = arith.shli %bitcast3A_221, %shift_left3A_223 : vector<16xi32>
        %bitcast3A_225 = vector.bitcast %shift_left3A_224 : vector<16xi32> to vector<16xf32>
        %and3A_226 = arith.andi %bitcast3A_221, %broadcast_in_dim3A_3 : vector<16xi32>
        %bitcast3A_227 = vector.bitcast %and3A_226 : vector<16xi32> to vector<16xf32>
        %add3A_228 = arith.addf %bitcast3A_201, %bitcast3A_225 : vector<16xf32>
        %add3A_229 = arith.addf %bitcast3A_203, %bitcast3A_227 : vector<16xf32>
        %add3A_230 = arith.constant 1 : i32
        %add3A_231 = arith.addi %mul3A_194, %add3A_230 : i32
        %get3A_232 = arith.index_cast %add3A_231 : i32 to index
        %get3A_233 = arith.constant 32 : index
        %get3A_234 = tpu.vector_load %arg6[%get3A_232, %get3A_233] {strides = array<i32>} : memref<384x64xbf16, #tpu.memory_space<vmem>>, vector<32xbf16>,
        %bitcast3A_235 = vector.bitcast %get3A_234 : vector<32xbf16> to vector<16xi32>
        %shift_left3A_236 = arith.constant 16 : i32
        %shift_left3A_237 = vector.broadcast %shift_left3A_236 : i32 to vector<16xi32>
        %shift_left3A_238 = arith.shli %bitcast3A_235, %shift_left3A_237 : vector<16xi32>
        %bitcast3A_239 = vector.bitcast %shift_left3A_238 : vector<16xi32> to vector<16xf32>
        %and3A_240 = arith.andi %bitcast3A_235, %broadcast_in_dim3A_3 : vector<16xi32>
        %bitcast3A_241 = vector.bitcast %and3A_240 : vector<16xi32> to vector<16xf32>
        %add3A_242 = arith.addf %bitcast3A_213, %bitcast3A_239 : vector<16xf32>
        %add3A_243 = arith.addf %bitcast3A_215, %bitcast3A_241 : vector<16xf32>
        %add3A_244 = arith.constant 2 : i32
        %add3A_245 = arith.addi %mul3A_194, %add3A_244 : i32
        %get3A_246 = arith.index_cast %add3A_245 : i32 to index
        %get3A_247 = arith.constant 0 : index
        %get3A_248 = tpu.vector_load %arg6[%get3A_246, %get3A_247] {strides = array<i32>} : memref<384x64xbf16, #tpu.memory_space<vmem>>, vector<32xbf16>,
        %bitcast3A_249 = vector.bitcast %get3A_248 : vector<32xbf16> to vector<16xi32>
        %shift_left3A_250 = arith.constant 16 : i32
        %shift_left3A_251 = vector.broadcast %shift_left3A_250 : i32 to vector<16xi32>
        %shift_left3A_252 = arith.shli %bitcast3A_249, %shift_left3A_251 : vector<16xi32>
        %bitcast3A_253 = vector.bitcast %shift_left3A_252 : vector<16xi32> to vector<16xf32>
        %and3A_254 = arith.andi %bitcast3A_249, %broadcast_in_dim3A_3 : vector<16xi32>
        %bitcast3A_255 = vector.bitcast %and3A_254 : vector<16xi32> to vector<16xf32>
        %add3A_256 = arith.addf %add3A_228, %bitcast3A_253 : vector<16xf32>
        %add3A_257 = arith.addf %add3A_229, %bitcast3A_255 : vector<16xf32>
        %add3A_258 = arith.constant 2 : i32
        %add3A_259 = arith.addi %mul3A_194, %add3A_258 : i32
        %get3A_260 = arith.index_cast %add3A_259 : i32 to index
        %get3A_261 = arith.constant 32 : index
        %get3A_262 = tpu.vector_load %arg6[%get3A_260, %get3A_261] {strides = array<i32>} : memref<384x64xbf16, #tpu.memory_space<vmem>>, vector<32xbf16>,
        %bitcast3A_263 = vector.bitcast %get3A_262 : vector<32xbf16> to vector<16xi32>
        %shift_left3A_264 = arith.constant 16 : i32
        %shift_left3A_265 = vector.broadcast %shift_left3A_264 : i32 to vector<16xi32>
        %shift_left3A_266 = arith.shli %bitcast3A_263, %shift_left3A_265 : vector<16xi32>
        %bitcast3A_267 = vector.bitcast %shift_left3A_266 : vector<16xi32> to vector<16xf32>
        %and3A_268 = arith.andi %bitcast3A_263, %broadcast_in_dim3A_3 : vector<16xi32>
        %bitcast3A_269 = vector.bitcast %and3A_268 : vector<16xi32> to vector<16xf32>
        %add3A_270 = arith.addf %add3A_242, %bitcast3A_267 : vector<16xf32>
        %add3A_271 = arith.addf %add3A_243, %bitcast3A_269 : vector<16xf32>
        %add3A_272 = arith.constant 3 : i32
        %add3A_273 = arith.addi %mul3A_194, %add3A_272 : i32
        %get3A_274 = arith.index_cast %add3A_273 : i32 to index
        %get3A_275 = arith.constant 0 : index
        %get3A_276 = tpu.vector_load %arg6[%get3A_274, %get3A_275] {strides = array<i32>} : memref<384x64xbf16, #tpu.memory_space<vmem>>, vector<32xbf16>,
        %bitcast3A_277 = vector.bitcast %get3A_276 : vector<32xbf16> to vector<16xi32>
        %shift_left3A_278 = arith.constant 16 : i32
        %shift_left3A_279 = vector.broadcast %shift_left3A_278 : i32 to vector<16xi32>
        %shift_left3A_280 = arith.shli %bitcast3A_277, %shift_left3A_279 : vector<16xi32>
        %bitcast3A_281 = vector.bitcast %shift_left3A_280 : vector<16xi32> to vector<16xf32>
        %and3A_282 = arith.andi %bitcast3A_277, %broadcast_in_dim3A_3 : vector<16xi32>
        %bitcast3A_283 = vector.bitcast %and3A_282 : vector<16xi32> to vector<16xf32>
        %add3A_284 = arith.addf %add3A_256, %bitcast3A_281 : vector<16xf32>
        %add3A_285 = arith.addf %add3A_257, %bitcast3A_283 : vector<16xf32>
        %add3A_286 = arith.constant 3 : i32
        %add3A_287 = arith.addi %mul3A_194, %add3A_286 : i32
        %get3A_288 = arith.index_cast %add3A_287 : i32 to index
        %get3A_289 = arith.constant 32 : index
        %get3A_290 = tpu.vector_load %arg6[%get3A_288, %get3A_289] {strides = array<i32>} : memref<384x64xbf16, #tpu.memory_space<vmem>>, vector<32xbf16>,
        %bitcast3A_291 = vector.bitcast %get3A_290 : vector<32xbf16> to vector<16xi32>
        %shift_left3A_292 = arith.constant 16 : i32
        %shift_left3A_293 = vector.broadcast %shift_left3A_292 : i32 to vector<16xi32>
        %shift_left3A_294 = arith.shli %bitcast3A_291, %shift_left3A_293 : vector<16xi32>
        %bitcast3A_295 = vector.bitcast %shift_left3A_294 : vector<16xi32> to vector<16xf32>
        %and3A_296 = arith.andi %bitcast3A_291, %broadcast_in_dim3A_3 : vector<16xi32>
        %bitcast3A_297 = vector.bitcast %and3A_296 : vector<16xi32> to vector<16xf32>
        %add3A_298 = arith.addf %add3A_270, %bitcast3A_295 : vector<16xf32>
        %add3A_299 = arith.addf %add3A_271, %bitcast3A_297 : vector<16xf32>
        %add3A_300 = arith.constant 4 : i32
        %add3A_301 = arith.addi %mul3A_194, %add3A_300 : i32
        %get3A_302 = arith.index_cast %add3A_301 : i32 to index
        %get3A_303 = arith.constant 0 : index
        %get3A_304 = tpu.vector_load %arg6[%get3A_302, %get3A_303] {strides = array<i32>} : memref<384x64xbf16, #tpu.memory_space<vmem>>, vector<32xbf16>,
        %bitcast3A_305 = vector.bitcast %get3A_304 : vector<32xbf16> to vector<16xi32>
        %shift_left3A_306 = arith.constant 16 : i32
        %shift_left3A_307 = vector.broadcast %shift_left3A_306 : i32 to vector<16xi32>
        %shift_left3A_308 = arith.shli %bitcast3A_305, %shift_left3A_307 : vector<16xi32>
        %bitcast3A_309 = vector.bitcast %shift_left3A_308 : vector<16xi32> to vector<16xf32>
        %and3A_310 = arith.andi %bitcast3A_305, %broadcast_in_dim3A_3 : vector<16xi32>
        %bitcast3A_311 = vector.bitcast %and3A_310 : vector<16xi32> to vector<16xf32>
        %add3A_312 = arith.addf %add3A_284, %bitcast3A_309 : vector<16xf32>
        %add3A_313 = arith.addf %add3A_285, %bitcast3A_311 : vector<16xf32>
        %add3A_314 = arith.constant 4 : i32
        %add3A_315 = arith.addi %mul3A_194, %add3A_314 : i32
        %get3A_316 = arith.index_cast %add3A_315 : i32 to index
        %get3A_317 = arith.constant 32 : index
        %get3A_318 = tpu.vector_load %arg6[%get3A_316, %get3A_317] {strides = array<i32>} : memref<384x64xbf16, #tpu.memory_space<vmem>>, vector<32xbf16>,
        %bitcast3A_319 = vector.bitcast %get3A_318 : vector<32xbf16> to vector<16xi32>
        %shift_left3A_320 = arith.constant 16 : i32
        %shift_left3A_321 = vector.broadcast %shift_left3A_320 : i32 to vector<16xi32>
        %shift_left3A_322 = arith.shli %bitcast3A_319, %shift_left3A_321 : vector<16xi32>
        %bitcast3A_323 = vector.bitcast %shift_left3A_322 : vector<16xi32> to vector<16xf32>
        %and3A_324 = arith.andi %bitcast3A_319, %broadcast_in_dim3A_3 : vector<16xi32>
        %bitcast3A_325 = vector.bitcast %and3A_324 : vector<16xi32> to vector<16xf32>
        %add3A_326 = arith.addf %add3A_298, %bitcast3A_323 : vector<16xf32>
        %add3A_327 = arith.addf %add3A_299, %bitcast3A_325 : vector<16xf32>
        %add3A_328 = arith.constant 5 : i32
        %add3A_329 = arith.addi %mul3A_194, %add3A_328 : i32
        %get3A_330 = arith.index_cast %add3A_329 : i32 to index
        %get3A_331 = arith.constant 0 : index
        %get3A_332 = tpu.vector_load %arg6[%get3A_330, %get3A_331] {strides = array<i32>} : memref<384x64xbf16, #tpu.memory_space<vmem>>, vector<32xbf16>,
        %bitcast3A_333 = vector.bitcast %get3A_332 : vector<32xbf16> to vector<16xi32>
        %shift_left3A_334 = arith.constant 16 : i32
        %shift_left3A_335 = vector.broadcast %shift_left3A_334 : i32 to vector<16xi32>
        %shift_left3A_336 = arith.shli %bitcast3A_333, %shift_left3A_335 : vector<16xi32>
        %bitcast3A_337 = vector.bitcast %shift_left3A_336 : vector<16xi32> to vector<16xf32>
        %and3A_338 = arith.andi %bitcast3A_333, %broadcast_in_dim3A_3 : vector<16xi32>
        %bitcast3A_339 = vector.bitcast %and3A_338 : vector<16xi32> to vector<16xf32>
        %add3A_340 = arith.addf %add3A_312, %bitcast3A_337 : vector<16xf32>
        %add3A_341 = arith.addf %add3A_313, %bitcast3A_339 : vector<16xf32>
        %add3A_342 = arith.constant 5 : i32
        %add3A_343 = arith.addi %mul3A_194, %add3A_342 : i32
        %get3A_344 = arith.index_cast %add3A_343 : i32 to index
        %get3A_345 = arith.constant 32 : index
        %get3A_346 = tpu.vector_load %arg6[%get3A_344, %get3A_345] {strides = array<i32>} : memref<384x64xbf16, #tpu.memory_space<vmem>>, vector<32xbf16>,
        %bitcast3A_347 = vector.bitcast %get3A_346 : vector<32xbf16> to vector<16xi32>
        %shift_left3A_348 = arith.constant 16 : i32
        %shift_left3A_349 = vector.broadcast %shift_left3A_348 : i32 to vector<16xi32>
        %shift_left3A_350 = arith.shli %bitcast3A_347, %shift_left3A_349 : vector<16xi32>
        %bitcast3A_351 = vector.bitcast %shift_left3A_350 : vector<16xi32> to vector<16xf32>
        %and3A_352 = arith.andi %bitcast3A_347, %broadcast_in_dim3A_3 : vector<16xi32>
        %bitcast3A_353 = vector.bitcast %and3A_352 : vector<16xi32> to vector<16xf32>
        %add3A_354 = arith.addf %add3A_326, %bitcast3A_351 : vector<16xf32>
        %add3A_355 = arith.addf %add3A_327, %bitcast3A_353 : vector<16xf32>
        %add3A_356 = arith.constant 6 : i32
        %add3A_357 = arith.addi %mul3A_194, %add3A_356 : i32
        %get3A_358 = arith.index_cast %add3A_357 : i32 to index
        %get3A_359 = arith.constant 0 : index
        %get3A_360 = tpu.vector_load %arg6[%get3A_358, %get3A_359] {strides = array<i32>} : memref<384x64xbf16, #tpu.memory_space<vmem>>, vector<32xbf16>,
        %bitcast3A_361 = vector.bitcast %get3A_360 : vector<32xbf16> to vector<16xi32>
        %shift_left3A_362 = arith.constant 16 : i32
        %shift_left3A_363 = vector.broadcast %shift_left3A_362 : i32 to vector<16xi32>
        %shift_left3A_364 = arith.shli %bitcast3A_361, %shift_left3A_363 : vector<16xi32>
        %bitcast3A_365 = vector.bitcast %shift_left3A_364 : vector<16xi32> to vector<16xf32>
        %and3A_366 = arith.andi %bitcast3A_361, %broadcast_in_dim3A_3 : vector<16xi32>
        %bitcast3A_367 = vector.bitcast %and3A_366 : vector<16xi32> to vector<16xf32>
        %add3A_368 = arith.addf %add3A_340, %bitcast3A_365 : vector<16xf32>
        %add3A_369 = arith.addf %add3A_341, %bitcast3A_367 : vector<16xf32>
        %add3A_370 = arith.constant 6 : i32
        %add3A_371 = arith.addi %mul3A_194, %add3A_370 : i32
        %get3A_372 = arith.index_cast %add3A_371 : i32 to index
        %get3A_373 = arith.constant 32 : index
        %get3A_374 = tpu.vector_load %arg6[%get3A_372, %get3A_373] {strides = array<i32>} : memref<384x64xbf16, #tpu.memory_space<vmem>>, vector<32xbf16>,
        %bitcast3A_375 = vector.bitcast %get3A_374 : vector<32xbf16> to vector<16xi32>
        %shift_left3A_376 = arith.constant 16 : i32
        %shift_left3A_377 = vector.broadcast %shift_left3A_376 : i32 to vector<16xi32>
        %shift_left3A_378 = arith.shli %bitcast3A_375, %shift_left3A_377 : vector<16xi32>
        %bitcast3A_379 = vector.bitcast %shift_left3A_378 : vector<16xi32> to vector<16xf32>
        %and3A_380 = arith.andi %bitcast3A_375, %broadcast_in_dim3A_3 : vector<16xi32>
        %bitcast3A_381 = vector.bitcast %and3A_380 : vector<16xi32> to vector<16xf32>
        %add3A_382 = arith.addf %add3A_354, %bitcast3A_379 : vector<16xf32>
        %add3A_383 = arith.addf %add3A_355, %bitcast3A_381 : vector<16xf32>
        %add3A_384 = arith.constant 7 : i32
        %add3A_385 = arith.addi %mul3A_194, %add3A_384 : i32
        %get3A_386 = arith.index_cast %add3A_385 : i32 to index
        %get3A_387 = arith.constant 0 : index
        %get3A_388 = tpu.vector_load %arg6[%get3A_386, %get3A_387] {strides = array<i32>} : memref<384x64xbf16, #tpu.memory_space<vmem>>, vector<32xbf16>,
        %bitcast3A_389 = vector.bitcast %get3A_388 : vector<32xbf16> to vector<16xi32>
        %shift_left3A_390 = arith.constant 16 : i32
        %shift_left3A_391 = vector.broadcast %shift_left3A_390 : i32 to vector<16xi32>
        %shift_left3A_392 = arith.shli %bitcast3A_389, %shift_left3A_391 : vector<16xi32>
        %bitcast3A_393 = vector.bitcast %shift_left3A_392 : vector<16xi32> to vector<16xf32>
        %and3A_394 = arith.andi %bitcast3A_389, %broadcast_in_dim3A_3 : vector<16xi32>
        %bitcast3A_395 = vector.bitcast %and3A_394 : vector<16xi32> to vector<16xf32>
        %add3A_396 = arith.addf %add3A_368, %bitcast3A_393 : vector<16xf32>
        %add3A_397 = arith.addf %add3A_369, %bitcast3A_395 : vector<16xf32>
        %add3A_398 = arith.constant 7 : i32
        %add3A_399 = arith.addi %mul3A_194, %add3A_398 : i32
        %get3A_400 = arith.index_cast %add3A_399 : i32 to index
        %get3A_401 = arith.constant 32 : index
        %get3A_402 = tpu.vector_load %arg6[%get3A_400, %get3A_401] {strides = array<i32>} : memref<384x64xbf16, #tpu.memory_space<vmem>>, vector<32xbf16>,
        %bitcast3A_403 = vector.bitcast %get3A_402 : vector<32xbf16> to vector<16xi32>
        %shift_left3A_404 = arith.constant 16 : i32
        %shift_left3A_405 = vector.broadcast %shift_left3A_404 : i32 to vector<16xi32>
        %shift_left3A_406 = arith.shli %bitcast3A_403, %shift_left3A_405 : vector<16xi32>
        %bitcast3A_407 = vector.bitcast %shift_left3A_406 : vector<16xi32> to vector<16xf32>
        %and3A_408 = arith.andi %bitcast3A_403, %broadcast_in_dim3A_3 : vector<16xi32>
        %bitcast3A_409 = vector.bitcast %and3A_408 : vector<16xi32> to vector<16xf32>
        %add3A_410 = arith.addf %add3A_382, %bitcast3A_407 : vector<16xf32>
        %add3A_411 = arith.addf %add3A_383, %bitcast3A_409 : vector<16xf32>
        %add3A_412 = arith.constant 8 : i32
        %add3A_413 = arith.addi %mul3A_194, %add3A_412 : i32
        %get3A_414 = arith.index_cast %add3A_413 : i32 to index
        %get3A_415 = arith.constant 0 : index
        %get3A_416 = tpu.vector_load %arg6[%get3A_414, %get3A_415] {strides = array<i32>} : memref<384x64xbf16, #tpu.memory_space<vmem>>, vector<32xbf16>,
        %bitcast3A_417 = vector.bitcast %get3A_416 : vector<32xbf16> to vector<16xi32>
        %shift_left3A_418 = arith.constant 16 : i32
        %shift_left3A_419 = vector.broadcast %shift_left3A_418 : i32 to vector<16xi32>
        %shift_left3A_420 = arith.shli %bitcast3A_417, %shift_left3A_419 : vector<16xi32>
        %bitcast3A_421 = vector.bitcast %shift_left3A_420 : vector<16xi32> to vector<16xf32>
        %and3A_422 = arith.andi %bitcast3A_417, %broadcast_in_dim3A_3 : vector<16xi32>
        %bitcast3A_423 = vector.bitcast %and3A_422 : vector<16xi32> to vector<16xf32>
        %add3A_424 = arith.addf %add3A_396, %bitcast3A_421 : vector<16xf32>
        %add3A_425 = arith.addf %add3A_397, %bitcast3A_423 : vector<16xf32>
        %add3A_426 = arith.constant 8 : i32
        %add3A_427 = arith.addi %mul3A_194, %add3A_426 : i32
        %get3A_428 = arith.index_cast %add3A_427 : i32 to index
        %get3A_429 = arith.constant 32 : index
        %get3A_430 = tpu.vector_load %arg6[%get3A_428, %get3A_429] {strides = array<i32>} : memref<384x64xbf16, #tpu.memory_space<vmem>>, vector<32xbf16>,
        %bitcast3A_431 = vector.bitcast %get3A_430 : vector<32xbf16> to vector<16xi32>
        %shift_left3A_432 = arith.constant 16 : i32
        %shift_left3A_433 = vector.broadcast %shift_left3A_432 : i32 to vector<16xi32>
        %shift_left3A_434 = arith.shli %bitcast3A_431, %shift_left3A_433 : vector<16xi32>
        %bitcast3A_435 = vector.bitcast %shift_left3A_434 : vector<16xi32> to vector<16xf32>
        %and3A_436 = arith.andi %bitcast3A_431, %broadcast_in_dim3A_3 : vector<16xi32>
        %bitcast3A_437 = vector.bitcast %and3A_436 : vector<16xi32> to vector<16xf32>
        %add3A_438 = arith.addf %add3A_410, %bitcast3A_435 : vector<16xf32>
        %add3A_439 = arith.addf %add3A_411, %bitcast3A_437 : vector<16xf32>
        %add3A_440 = arith.constant 9 : i32
        %add3A_441 = arith.addi %mul3A_194, %add3A_440 : i32
        %get3A_442 = arith.index_cast %add3A_441 : i32 to index
        %get3A_443 = arith.constant 0 : index
        %get3A_444 = tpu.vector_load %arg6[%get3A_442, %get3A_443] {strides = array<i32>} : memref<384x64xbf16, #tpu.memory_space<vmem>>, vector<32xbf16>,
        %bitcast3A_445 = vector.bitcast %get3A_444 : vector<32xbf16> to vector<16xi32>
        %shift_left3A_446 = arith.constant 16 : i32
        %shift_left3A_447 = vector.broadcast %shift_left3A_446 : i32 to vector<16xi32>
        %shift_left3A_448 = arith.shli %bitcast3A_445, %shift_left3A_447 : vector<16xi32>
        %bitcast3A_449 = vector.bitcast %shift_left3A_448 : vector<16xi32> to vector<16xf32>
        %and3A_450 = arith.andi %bitcast3A_445, %broadcast_in_dim3A_3 : vector<16xi32>
        %bitcast3A_451 = vector.bitcast %and3A_450 : vector<16xi32> to vector<16xf32>
        %add3A_452 = arith.addf %add3A_424, %bitcast3A_449 : vector<16xf32>
        %add3A_453 = arith.addf %add3A_425, %bitcast3A_451 : vector<16xf32>
        %add3A_454 = arith.constant 9 : i32
        %add3A_455 = arith.addi %mul3A_194, %add3A_454 : i32
        %get3A_456 = arith.index_cast %add3A_455 : i32 to index
        %get3A_457 = arith.constant 32 : index
        %get3A_458 = tpu.vector_load %arg6[%get3A_456, %get3A_457] {strides = array<i32>} : memref<384x64xbf16, #tpu.memory_space<vmem>>, vector<32xbf16>,
        %bitcast3A_459 = vector.bitcast %get3A_458 : vector<32xbf16> to vector<16xi32>
        %shift_left3A_460 = arith.constant 16 : i32
        %shift_left3A_461 = vector.broadcast %shift_left3A_460 : i32 to vector<16xi32>
        %shift_left3A_462 = arith.shli %bitcast3A_459, %shift_left3A_461 : vector<16xi32>
        %bitcast3A_463 = vector.bitcast %shift_left3A_462 : vector<16xi32> to vector<16xf32>
        %and3A_464 = arith.andi %bitcast3A_459, %broadcast_in_dim3A_3 : vector<16xi32>
        %bitcast3A_465 = vector.bitcast %and3A_464 : vector<16xi32> to vector<16xf32>
        %add3A_466 = arith.addf %add3A_438, %bitcast3A_463 : vector<16xf32>
        %add3A_467 = arith.addf %add3A_439, %bitcast3A_465 : vector<16xf32>
        %add3A_468 = arith.constant 10 : i32
        %add3A_469 = arith.addi %mul3A_194, %add3A_468 : i32
        %get3A_470 = arith.index_cast %add3A_469 : i32 to index
        %get3A_471 = arith.constant 0 : index
        %get3A_472 = tpu.vector_load %arg6[%get3A_470, %get3A_471] {strides = array<i32>} : memref<384x64xbf16, #tpu.memory_space<vmem>>, vector<32xbf16>,
        %bitcast3A_473 = vector.bitcast %get3A_472 : vector<32xbf16> to vector<16xi32>
        %shift_left3A_474 = arith.constant 16 : i32
        %shift_left3A_475 = vector.broadcast %shift_left3A_474 : i32 to vector<16xi32>
        %shift_left3A_476 = arith.shli %bitcast3A_473, %shift_left3A_475 : vector<16xi32>
        %bitcast3A_477 = vector.bitcast %shift_left3A_476 : vector<16xi32> to vector<16xf32>
        %and3A_478 = arith.andi %bitcast3A_473, %broadcast_in_dim3A_3 : vector<16xi32>
        %bitcast3A_479 = vector.bitcast %and3A_478 : vector<16xi32> to vector<16xf32>
        %add3A_480 = arith.addf %add3A_452, %bitcast3A_477 : vector<16xf32>
        %add3A_481 = arith.addf %add3A_453, %bitcast3A_479 : vector<16xf32>
        %add3A_482 = arith.constant 10 : i32
        %add3A_483 = arith.addi %mul3A_194, %add3A_482 : i32
        %get3A_484 = arith.index_cast %add3A_483 : i32 to index
        %get3A_485 = arith.constant 32 : index
        %get3A_486 = tpu.vector_load %arg6[%get3A_484, %get3A_485] {strides = array<i32>} : memref<384x64xbf16, #tpu.memory_space<vmem>>, vector<32xbf16>,
        %bitcast3A_487 = vector.bitcast %get3A_486 : vector<32xbf16> to vector<16xi32>
        %shift_left3A_488 = arith.constant 16 : i32
        %shift_left3A_489 = vector.broadcast %shift_left3A_488 : i32 to vector<16xi32>
        %shift_left3A_490 = arith.shli %bitcast3A_487, %shift_left3A_489 : vector<16xi32>
        %bitcast3A_491 = vector.bitcast %shift_left3A_490 : vector<16xi32> to vector<16xf32>
        %and3A_492 = arith.andi %bitcast3A_487, %broadcast_in_dim3A_3 : vector<16xi32>
        %bitcast3A_493 = vector.bitcast %and3A_492 : vector<16xi32> to vector<16xf32>
        %add3A_494 = arith.addf %add3A_466, %bitcast3A_491 : vector<16xf32>
        %add3A_495 = arith.addf %add3A_467, %bitcast3A_493 : vector<16xf32>
        %add3A_496 = arith.constant 11 : i32
        %add3A_497 = arith.addi %mul3A_194, %add3A_496 : i32
        %get3A_498 = arith.index_cast %add3A_497 : i32 to index
        %get3A_499 = arith.constant 0 : index
        %get3A_500 = tpu.vector_load %arg6[%get3A_498, %get3A_499] {strides = array<i32>} : memref<384x64xbf16, #tpu.memory_space<vmem>>, vector<32xbf16>,
        %bitcast3A_501 = vector.bitcast %get3A_500 : vector<32xbf16> to vector<16xi32>
        %shift_left3A_502 = arith.constant 16 : i32
        %shift_left3A_503 = vector.broadcast %shift_left3A_502 : i32 to vector<16xi32>
        %shift_left3A_504 = arith.shli %bitcast3A_501, %shift_left3A_503 : vector<16xi32>
        %bitcast3A_505 = vector.bitcast %shift_left3A_504 : vector<16xi32> to vector<16xf32>
        %and3A_506 = arith.andi %bitcast3A_501, %broadcast_in_dim3A_3 : vector<16xi32>
        %bitcast3A_507 = vector.bitcast %and3A_506 : vector<16xi32> to vector<16xf32>
        %add3A_508 = arith.addf %add3A_480, %bitcast3A_505 : vector<16xf32>
        %add3A_509 = arith.addf %add3A_481, %bitcast3A_507 : vector<16xf32>
        %add3A_510 = arith.constant 11 : i32
        %add3A_511 = arith.addi %mul3A_194, %add3A_510 : i32
        %get3A_512 = arith.index_cast %add3A_511 : i32 to index
        %get3A_513 = arith.constant 32 : index
        %get3A_514 = tpu.vector_load %arg6[%get3A_512, %get3A_513] {strides = array<i32>} : memref<384x64xbf16, #tpu.memory_space<vmem>>, vector<32xbf16>,
        %bitcast3A_515 = vector.bitcast %get3A_514 : vector<32xbf16> to vector<16xi32>
        %shift_left3A_516 = arith.constant 16 : i32
        %shift_left3A_517 = vector.broadcast %shift_left3A_516 : i32 to vector<16xi32>
        %shift_left3A_518 = arith.shli %bitcast3A_515, %shift_left3A_517 : vector<16xi32>
        %bitcast3A_519 = vector.bitcast %shift_left3A_518 : vector<16xi32> to vector<16xf32>
        %and3A_520 = arith.andi %bitcast3A_515, %broadcast_in_dim3A_3 : vector<16xi32>
        %bitcast3A_521 = vector.bitcast %and3A_520 : vector<16xi32> to vector<16xf32>
        %add3A_522 = arith.addf %add3A_494, %bitcast3A_519 : vector<16xf32>
        %add3A_523 = arith.addf %add3A_495, %bitcast3A_521 : vector<16xf32>
        %mul3A_524 = arith.constant 32 : i32
        %mul3A_525 = arith.muli %mul3A_71, %mul3A_524 : i32
        %add3A_526 = arith.addi %mul3A_525, %scan3A_191 : i32
        %swap3A = arith.index_cast %add3A_526 : i32 to index
        %swap3A_527 = arith.constant 0 : index
        %swap3A_528 = tpu.vector_load %arg8[%swap3A, %swap3A_527] {strides = array<i32>} : memref<512x64xf32, #tpu.memory_space<vmem>>, vector<16xf32>,
        tpu.vector_store %arg8[%swap3A, %swap3A_527], %add3A_508 {strides = array<i32>} : memref<512x64xf32, #tpu.memory_space<vmem>>, vector<16xf32>,
        %mul3A_529 = arith.constant 32 : i32
        %mul3A_530 = arith.muli %mul3A_71, %mul3A_529 : i32
        %add3A_531 = arith.addi %mul3A_530, %scan3A_191 : i32
        %swap3A_532 = arith.index_cast %add3A_531 : i32 to index
        %swap3A_533 = arith.constant 16 : index
        %swap3A_534 = tpu.vector_load %arg8[%swap3A_532, %swap3A_533] {strides = array<i32>} : memref<512x64xf32, #tpu.memory_space<vmem>>, vector<16xf32>,
        tpu.vector_store %arg8[%swap3A_532, %swap3A_533], %add3A_509 {strides = array<i32>} : memref<512x64xf32, #tpu.memory_space<vmem>>, vector<16xf32>,
        %mul3A_535 = arith.constant 32 : i32
        %mul3A_536 = arith.muli %mul3A_71, %mul3A_535 : i32
        %add3A_537 = arith.addi %mul3A_536, %scan3A_191 : i32
        %swap3A_538 = arith.index_cast %add3A_537 : i32 to index
        %swap3A_539 = arith.constant 32 : index
        %swap3A_540 = tpu.vector_load %arg8[%swap3A_538, %swap3A_539] {strides = array<i32>} : memref<512x64xf32, #tpu.memory_space<vmem>>, vector<16xf32>,
        tpu.vector_store %arg8[%swap3A_538, %swap3A_539], %add3A_522 {strides = array<i32>} : memref<512x64xf32, #tpu.memory_space<vmem>>, vector<16xf32>,
        %mul3A_541 = arith.constant 32 : i32
        %mul3A_542 = arith.muli %mul3A_71, %mul3A_541 : i32
        %add3A_543 = arith.addi %mul3A_542, %scan3A_191 : i32
        %swap3A_544 = arith.index_cast %add3A_543 : i32 to index
        %swap3A_545 = arith.constant 48 : index
        %swap3A_546 = tpu.vector_load %arg8[%swap3A_544, %swap3A_545] {strides = array<i32>} : memref<512x64xf32, #tpu.memory_space<vmem>>, vector<16xf32>,
        tpu.vector_store %arg8[%swap3A_544, %swap3A_545], %add3A_523 {strides = array<i32>} : memref<512x64xf32, #tpu.memory_space<vmem>>, vector<16xf32>,
        %scan3A_547 = arith.constant 0 : i32
        %scan3A_548 = arith.constant 1 : i32
        %scan3A_549 = arith.addi %scan3A_191, %scan3A_548 : i32
        %mul3A_550 = arith.constant 12 : i32
        %mul3A_551 = arith.muli %scan3A_549, %mul3A_550 : i32
        %add3A_552 = arith.constant 0 : i32
        %add3A_553 = arith.addi %mul3A_551, %add3A_552 : i32
        %get3A_554 = arith.index_cast %add3A_553 : i32 to index
        %get3A_555 = arith.constant 0 : index
        %get3A_556 = tpu.vector_load %arg6[%get3A_554, %get3A_555] {strides = array<i32>} : memref<384x64xbf16, #tpu.memory_space<vmem>>, vector<32xbf16>,
        %bitcast3A_557 = vector.bitcast %get3A_556 : vector<32xbf16> to vector<16xi32>
        %shift_left3A_558 = arith.constant 16 : i32
        %shift_left3A_559 = vector.broadcast %shift_left3A_558 : i32 to vector<16xi32>
        %shift_left3A_560 = arith.shli %bitcast3A_557, %shift_left3A_559 : vector<16xi32>
        %bitcast3A_561 = vector.bitcast %shift_left3A_560 : vector<16xi32> to vector<16xf32>
        %and3A_562 = arith.andi %bitcast3A_557, %broadcast_in_dim3A_3 : vector<16xi32>
        %bitcast3A_563 = vector.bitcast %and3A_562 : vector<16xi32> to vector<16xf32>
        %add3A_564 = arith.constant 0 : i32
        %add3A_565 = arith.addi %mul3A_551, %add3A_564 : i32
        %get3A_566 = arith.index_cast %add3A_565 : i32 to index
        %get3A_567 = arith.constant 32 : index
        %get3A_568 = tpu.vector_load %arg6[%get3A_566, %get3A_567] {strides = array<i32>} : memref<384x64xbf16, #tpu.memory_space<vmem>>, vector<32xbf16>,
        %bitcast3A_569 = vector.bitcast %get3A_568 : vector<32xbf16> to vector<16xi32>
        %shift_left3A_570 = arith.constant 16 : i32
        %shift_left3A_571 = vector.broadcast %shift_left3A_570 : i32 to vector<16xi32>
        %shift_left3A_572 = arith.shli %bitcast3A_569, %shift_left3A_571 : vector<16xi32>
        %bitcast3A_573 = vector.bitcast %shift_left3A_572 : vector<16xi32> to vector<16xf32>
        %and3A_574 = arith.andi %bitcast3A_569, %broadcast_in_dim3A_3 : vector<16xi32>
        %bitcast3A_575 = vector.bitcast %and3A_574 : vector<16xi32> to vector<16xf32>
        %add3A_576 = arith.constant 1 : i32
        %add3A_577 = arith.addi %mul3A_551, %add3A_576 : i32
        %get3A_578 = arith.index_cast %add3A_577 : i32 to index
        %get3A_579 = arith.constant 0 : index
        %get3A_580 = tpu.vector_load %arg6[%get3A_578, %get3A_579] {strides = array<i32>} : memref<384x64xbf16, #tpu.memory_space<vmem>>, vector<32xbf16>,
        %bitcast3A_581 = vector.bitcast %get3A_580 : vector<32xbf16> to vector<16xi32>
        %shift_left3A_582 = arith.constant 16 : i32
        %shift_left3A_583 = vector.broadcast %shift_left3A_582 : i32 to vector<16xi32>
        %shift_left3A_584 = arith.shli %bitcast3A_581, %shift_left3A_583 : vector<16xi32>
        %bitcast3A_585 = vector.bitcast %shift_left3A_584 : vector<16xi32> to vector<16xf32>
        %and3A_586 = arith.andi %bitcast3A_581, %broadcast_in_dim3A_3 : vector<16xi32>
        %bitcast3A_587 = vector.bitcast %and3A_586 : vector<16xi32> to vector<16xf32>
        %add3A_588 = arith.addf %bitcast3A_561, %bitcast3A_585 : vector<16xf32>
        %add3A_589 = arith.addf %bitcast3A_563, %bitcast3A_587 : vector<16xf32>
        %add3A_590 = arith.constant 1 : i32
        %add3A_591 = arith.addi %mul3A_551, %add3A_590 : i32
        %get3A_592 = arith.index_cast %add3A_591 : i32 to index
        %get3A_593 = arith.constant 32 : index
        %get3A_594 = tpu.vector_load %arg6[%get3A_592, %get3A_593] {strides = array<i32>} : memref<384x64xbf16, #tpu.memory_space<vmem>>, vector<32xbf16>,
        %bitcast3A_595 = vector.bitcast %get3A_594 : vector<32xbf16> to vector<16xi32>
        %shift_left3A_596 = arith.constant 16 : i32
        %shift_left3A_597 = vector.broadcast %shift_left3A_596 : i32 to vector<16xi32>
        %shift_left3A_598 = arith.shli %bitcast3A_595, %shift_left3A_597 : vector<16xi32>
        %bitcast3A_599 = vector.bitcast %shift_left3A_598 : vector<16xi32> to vector<16xf32>
        %and3A_600 = arith.andi %bitcast3A_595, %broadcast_in_dim3A_3 : vector<16xi32>
        %bitcast3A_601 = vector.bitcast %and3A_600 : vector<16xi32> to vector<16xf32>
        %add3A_602 = arith.addf %bitcast3A_573, %bitcast3A_599 : vector<16xf32>
        %add3A_603 = arith.addf %bitcast3A_575, %bitcast3A_601 : vector<16xf32>
        %add3A_604 = arith.constant 2 : i32
        %add3A_605 = arith.addi %mul3A_551, %add3A_604 : i32
        %get3A_606 = arith.index_cast %add3A_605 : i32 to index
        %get3A_607 = arith.constant 0 : index
        %get3A_608 = tpu.vector_load %arg6[%get3A_606, %get3A_607] {strides = array<i32>} : memref<384x64xbf16, #tpu.memory_space<vmem>>, vector<32xbf16>,
        %bitcast3A_609 = vector.bitcast %get3A_608 : vector<32xbf16> to vector<16xi32>
        %shift_left3A_610 = arith.constant 16 : i32
        %shift_left3A_611 = vector.broadcast %shift_left3A_610 : i32 to vector<16xi32>
        %shift_left3A_612 = arith.shli %bitcast3A_609, %shift_left3A_611 : vector<16xi32>
        %bitcast3A_613 = vector.bitcast %shift_left3A_612 : vector<16xi32> to vector<16xf32>
        %and3A_614 = arith.andi %bitcast3A_609, %broadcast_in_dim3A_3 : vector<16xi32>
        %bitcast3A_615 = vector.bitcast %and3A_614 : vector<16xi32> to vector<16xf32>
        %add3A_616 = arith.addf %add3A_588, %bitcast3A_613 : vector<16xf32>
        %add3A_617 = arith.addf %add3A_589, %bitcast3A_615 : vector<16xf32>
        %add3A_618 = arith.constant 2 : i32
        %add3A_619 = arith.addi %mul3A_551, %add3A_618 : i32
        %get3A_620 = arith.index_cast %add3A_619 : i32 to index
        %get3A_621 = arith.constant 32 : index
        %get3A_622 = tpu.vector_load %arg6[%get3A_620, %get3A_621] {strides = array<i32>} : memref<384x64xbf16, #tpu.memory_space<vmem>>, vector<32xbf16>,
        %bitcast3A_623 = vector.bitcast %get3A_622 : vector<32xbf16> to vector<16xi32>
        %shift_left3A_624 = arith.constant 16 : i32
        %shift_left3A_625 = vector.broadcast %shift_left3A_624 : i32 to vector<16xi32>
        %shift_left3A_626 = arith.shli %bitcast3A_623, %shift_left3A_625 : vector<16xi32>
        %bitcast3A_627 = vector.bitcast %shift_left3A_626 : vector<16xi32> to vector<16xf32>
        %and3A_628 = arith.andi %bitcast3A_623, %broadcast_in_dim3A_3 : vector<16xi32>
        %bitcast3A_629 = vector.bitcast %and3A_628 : vector<16xi32> to vector<16xf32>
        %add3A_630 = arith.addf %add3A_602, %bitcast3A_627 : vector<16xf32>
        %add3A_631 = arith.addf %add3A_603, %bitcast3A_629 : vector<16xf32>
        %add3A_632 = arith.constant 3 : i32
        %add3A_633 = arith.addi %mul3A_551, %add3A_632 : i32
        %get3A_634 = arith.index_cast %add3A_633 : i32 to index
        %get3A_635 = arith.constant 0 : index
        %get3A_636 = tpu.vector_load %arg6[%get3A_634, %get3A_635] {strides = array<i32>} : memref<384x64xbf16, #tpu.memory_space<vmem>>, vector<32xbf16>,
        %bitcast3A_637 = vector.bitcast %get3A_636 : vector<32xbf16> to vector<16xi32>
        %shift_left3A_638 = arith.constant 16 : i32
        %shift_left3A_639 = vector.broadcast %shift_left3A_638 : i32 to vector<16xi32>
        %shift_left3A_640 = arith.shli %bitcast3A_637, %shift_left3A_639 : vector<16xi32>
        %bitcast3A_641 = vector.bitcast %shift_left3A_640 : vector<16xi32> to vector<16xf32>
        %and3A_642 = arith.andi %bitcast3A_637, %broadcast_in_dim3A_3 : vector<16xi32>
        %bitcast3A_643 = vector.bitcast %and3A_642 : vector<16xi32> to vector<16xf32>
        %add3A_644 = arith.addf %add3A_616, %bitcast3A_641 : vector<16xf32>
        %add3A_645 = arith.addf %add3A_617, %bitcast3A_643 : vector<16xf32>
        %add3A_646 = arith.constant 3 : i32
        %add3A_647 = arith.addi %mul3A_551, %add3A_646 : i32
        %get3A_648 = arith.index_cast %add3A_647 : i32 to index
        %get3A_649 = arith.constant 32 : index
        %get3A_650 = tpu.vector_load %arg6[%get3A_648, %get3A_649] {strides = array<i32>} : memref<384x64xbf16, #tpu.memory_space<vmem>>, vector<32xbf16>,
        %bitcast3A_651 = vector.bitcast %get3A_650 : vector<32xbf16> to vector<16xi32>
        %shift_left3A_652 = arith.constant 16 : i32
        %shift_left3A_653 = vector.broadcast %shift_left3A_652 : i32 to vector<16xi32>
        %shift_left3A_654 = arith.shli %bitcast3A_651, %shift_left3A_653 : vector<16xi32>
        %bitcast3A_655 = vector.bitcast %shift_left3A_654 : vector<16xi32> to vector<16xf32>
        %and3A_656 = arith.andi %bitcast3A_651, %broadcast_in_dim3A_3 : vector<16xi32>
        %bitcast3A_657 = vector.bitcast %and3A_656 : vector<16xi32> to vector<16xf32>
        %add3A_658 = arith.addf %add3A_630, %bitcast3A_655 : vector<16xf32>
        %add3A_659 = arith.addf %add3A_631, %bitcast3A_657 : vector<16xf32>
        %add3A_660 = arith.constant 4 : i32
        %add3A_661 = arith.addi %mul3A_551, %add3A_660 : i32
        %get3A_662 = arith.index_cast %add3A_661 : i32 to index
        %get3A_663 = arith.constant 0 : index
        %get3A_664 = tpu.vector_load %arg6[%get3A_662, %get3A_663] {strides = array<i32>} : memref<384x64xbf16, #tpu.memory_space<vmem>>, vector<32xbf16>,
        %bitcast3A_665 = vector.bitcast %get3A_664 : vector<32xbf16> to vector<16xi32>
        %shift_left3A_666 = arith.constant 16 : i32
        %shift_left3A_667 = vector.broadcast %shift_left3A_666 : i32 to vector<16xi32>
        %shift_left3A_668 = arith.shli %bitcast3A_665, %shift_left3A_667 : vector<16xi32>
        %bitcast3A_669 = vector.bitcast %shift_left3A_668 : vector<16xi32> to vector<16xf32>
        %and3A_670 = arith.andi %bitcast3A_665, %broadcast_in_dim3A_3 : vector<16xi32>
        %bitcast3A_671 = vector.bitcast %and3A_670 : vector<16xi32> to vector<16xf32>
        %add3A_672 = arith.addf %add3A_644, %bitcast3A_669 : vector<16xf32>
        %add3A_673 = arith.addf %add3A_645, %bitcast3A_671 : vector<16xf32>
        %add3A_674 = arith.constant 4 : i32
        %add3A_675 = arith.addi %mul3A_551, %add3A_674 : i32
        %get3A_676 = arith.index_cast %add3A_675 : i32 to index
        %get3A_677 = arith.constant 32 : index
        %get3A_678 = tpu.vector_load %arg6[%get3A_676, %get3A_677] {strides = array<i32>} : memref<384x64xbf16, #tpu.memory_space<vmem>>, vector<32xbf16>,
        %bitcast3A_679 = vector.bitcast %get3A_678 : vector<32xbf16> to vector<16xi32>
        %shift_left3A_680 = arith.constant 16 : i32
        %shift_left3A_681 = vector.broadcast %shift_left3A_680 : i32 to vector<16xi32>
        %shift_left3A_682 = arith.shli %bitcast3A_679, %shift_left3A_681 : vector<16xi32>
        %bitcast3A_683 = vector.bitcast %shift_left3A_682 : vector<16xi32> to vector<16xf32>
        %and3A_684 = arith.andi %bitcast3A_679, %broadcast_in_dim3A_3 : vector<16xi32>
        %bitcast3A_685 = vector.bitcast %and3A_684 : vector<16xi32> to vector<16xf32>
        %add3A_686 = arith.addf %add3A_658, %bitcast3A_683 : vector<16xf32>
        %add3A_687 = arith.addf %add3A_659, %bitcast3A_685 : vector<16xf32>
        %add3A_688 = arith.constant 5 : i32
        %add3A_689 = arith.addi %mul3A_551, %add3A_688 : i32
        %get3A_690 = arith.index_cast %add3A_689 : i32 to index
        %get3A_691 = arith.constant 0 : index
        %get3A_692 = tpu.vector_load %arg6[%get3A_690, %get3A_691] {strides = array<i32>} : memref<384x64xbf16, #tpu.memory_space<vmem>>, vector<32xbf16>,
        %bitcast3A_693 = vector.bitcast %get3A_692 : vector<32xbf16> to vector<16xi32>
        %shift_left3A_694 = arith.constant 16 : i32
        %shift_left3A_695 = vector.broadcast %shift_left3A_694 : i32 to vector<16xi32>
        %shift_left3A_696 = arith.shli %bitcast3A_693, %shift_left3A_695 : vector<16xi32>
        %bitcast3A_697 = vector.bitcast %shift_left3A_696 : vector<16xi32> to vector<16xf32>
        %and3A_698 = arith.andi %bitcast3A_693, %broadcast_in_dim3A_3 : vector<16xi32>
        %bitcast3A_699 = vector.bitcast %and3A_698 : vector<16xi32> to vector<16xf32>
        %add3A_700 = arith.addf %add3A_672, %bitcast3A_697 : vector<16xf32>
        %add3A_701 = arith.addf %add3A_673, %bitcast3A_699 : vector<16xf32>
        %add3A_702 = arith.constant 5 : i32
        %add3A_703 = arith.addi %mul3A_551, %add3A_702 : i32
        %get3A_704 = arith.index_cast %add3A_703 : i32 to index
        %get3A_705 = arith.constant 32 : index
        %get3A_706 = tpu.vector_load %arg6[%get3A_704, %get3A_705] {strides = array<i32>} : memref<384x64xbf16, #tpu.memory_space<vmem>>, vector<32xbf16>,
        %bitcast3A_707 = vector.bitcast %get3A_706 : vector<32xbf16> to vector<16xi32>
        %shift_left3A_708 = arith.constant 16 : i32
        %shift_left3A_709 = vector.broadcast %shift_left3A_708 : i32 to vector<16xi32>
        %shift_left3A_710 = arith.shli %bitcast3A_707, %shift_left3A_709 : vector<16xi32>
        %bitcast3A_711 = vector.bitcast %shift_left3A_710 : vector<16xi32> to vector<16xf32>
        %and3A_712 = arith.andi %bitcast3A_707, %broadcast_in_dim3A_3 : vector<16xi32>
        %bitcast3A_713 = vector.bitcast %and3A_712 : vector<16xi32> to vector<16xf32>
        %add3A_714 = arith.addf %add3A_686, %bitcast3A_711 : vector<16xf32>
        %add3A_715 = arith.addf %add3A_687, %bitcast3A_713 : vector<16xf32>
        %add3A_716 = arith.constant 6 : i32
        %add3A_717 = arith.addi %mul3A_551, %add3A_716 : i32
        %get3A_718 = arith.index_cast %add3A_717 : i32 to index
        %get3A_719 = arith.constant 0 : index
        %get3A_720 = tpu.vector_load %arg6[%get3A_718, %get3A_719] {strides = array<i32>} : memref<384x64xbf16, #tpu.memory_space<vmem>>, vector<32xbf16>,
        %bitcast3A_721 = vector.bitcast %get3A_720 : vector<32xbf16> to vector<16xi32>
        %shift_left3A_722 = arith.constant 16 : i32
        %shift_left3A_723 = vector.broadcast %shift_left3A_722 : i32 to vector<16xi32>
        %shift_left3A_724 = arith.shli %bitcast3A_721, %shift_left3A_723 : vector<16xi32>
        %bitcast3A_725 = vector.bitcast %shift_left3A_724 : vector<16xi32> to vector<16xf32>
        %and3A_726 = arith.andi %bitcast3A_721, %broadcast_in_dim3A_3 : vector<16xi32>
        %bitcast3A_727 = vector.bitcast %and3A_726 : vector<16xi32> to vector<16xf32>
        %add3A_728 = arith.addf %add3A_700, %bitcast3A_725 : vector<16xf32>
        %add3A_729 = arith.addf %add3A_701, %bitcast3A_727 : vector<16xf32>
        %add3A_730 = arith.constant 6 : i32
        %add3A_731 = arith.addi %mul3A_551, %add3A_730 : i32
        %get3A_732 = arith.index_cast %add3A_731 : i32 to index
        %get3A_733 = arith.constant 32 : index
        %get3A_734 = tpu.vector_load %arg6[%get3A_732, %get3A_733] {strides = array<i32>} : memref<384x64xbf16, #tpu.memory_space<vmem>>, vector<32xbf16>,
        %bitcast3A_735 = vector.bitcast %get3A_734 : vector<32xbf16> to vector<16xi32>
        %shift_left3A_736 = arith.constant 16 : i32
        %shift_left3A_737 = vector.broadcast %shift_left3A_736 : i32 to vector<16xi32>
        %shift_left3A_738 = arith.shli %bitcast3A_735, %shift_left3A_737 : vector<16xi32>
        %bitcast3A_739 = vector.bitcast %shift_left3A_738 : vector<16xi32> to vector<16xf32>
        %and3A_740 = arith.andi %bitcast3A_735, %broadcast_in_dim3A_3 : vector<16xi32>
        %bitcast3A_741 = vector.bitcast %and3A_740 : vector<16xi32> to vector<16xf32>
        %add3A_742 = arith.addf %add3A_714, %bitcast3A_739 : vector<16xf32>
        %add3A_743 = arith.addf %add3A_715, %bitcast3A_741 : vector<16xf32>
        %add3A_744 = arith.constant 7 : i32
        %add3A_745 = arith.addi %mul3A_551, %add3A_744 : i32
        %get3A_746 = arith.index_cast %add3A_745 : i32 to index
        %get3A_747 = arith.constant 0 : index
        %get3A_748 = tpu.vector_load %arg6[%get3A_746, %get3A_747] {strides = array<i32>} : memref<384x64xbf16, #tpu.memory_space<vmem>>, vector<32xbf16>,
        %bitcast3A_749 = vector.bitcast %get3A_748 : vector<32xbf16> to vector<16xi32>
        %shift_left3A_750 = arith.constant 16 : i32
        %shift_left3A_751 = vector.broadcast %shift_left3A_750 : i32 to vector<16xi32>
        %shift_left3A_752 = arith.shli %bitcast3A_749, %shift_left3A_751 : vector<16xi32>
        %bitcast3A_753 = vector.bitcast %shift_left3A_752 : vector<16xi32> to vector<16xf32>
        %and3A_754 = arith.andi %bitcast3A_749, %broadcast_in_dim3A_3 : vector<16xi32>
        %bitcast3A_755 = vector.bitcast %and3A_754 : vector<16xi32> to vector<16xf32>
        %add3A_756 = arith.addf %add3A_728, %bitcast3A_753 : vector<16xf32>
        %add3A_757 = arith.addf %add3A_729, %bitcast3A_755 : vector<16xf32>
        %add3A_758 = arith.constant 7 : i32
        %add3A_759 = arith.addi %mul3A_551, %add3A_758 : i32
        %get3A_760 = arith.index_cast %add3A_759 : i32 to index
        %get3A_761 = arith.constant 32 : index
        %get3A_762 = tpu.vector_load %arg6[%get3A_760, %get3A_761] {strides = array<i32>} : memref<384x64xbf16, #tpu.memory_space<vmem>>, vector<32xbf16>,
        %bitcast3A_763 = vector.bitcast %get3A_762 : vector<32xbf16> to vector<16xi32>
        %shift_left3A_764 = arith.constant 16 : i32
        %shift_left3A_765 = vector.broadcast %shift_left3A_764 : i32 to vector<16xi32>
        %shift_left3A_766 = arith.shli %bitcast3A_763, %shift_left3A_765 : vector<16xi32>
        %bitcast3A_767 = vector.bitcast %shift_left3A_766 : vector<16xi32> to vector<16xf32>
        %and3A_768 = arith.andi %bitcast3A_763, %broadcast_in_dim3A_3 : vector<16xi32>
        %bitcast3A_769 = vector.bitcast %and3A_768 : vector<16xi32> to vector<16xf32>
        %add3A_770 = arith.addf %add3A_742, %bitcast3A_767 : vector<16xf32>
        %add3A_771 = arith.addf %add3A_743, %bitcast3A_769 : vector<16xf32>
        %add3A_772 = arith.constant 8 : i32
        %add3A_773 = arith.addi %mul3A_551, %add3A_772 : i32
        %get3A_774 = arith.index_cast %add3A_773 : i32 to index
        %get3A_775 = arith.constant 0 : index
        %get3A_776 = tpu.vector_load %arg6[%get3A_774, %get3A_775] {strides = array<i32>} : memref<384x64xbf16, #tpu.memory_space<vmem>>, vector<32xbf16>,
        %bitcast3A_777 = vector.bitcast %get3A_776 : vector<32xbf16> to vector<16xi32>
        %shift_left3A_778 = arith.constant 16 : i32
        %shift_left3A_779 = vector.broadcast %shift_left3A_778 : i32 to vector<16xi32>
        %shift_left3A_780 = arith.shli %bitcast3A_777, %shift_left3A_779 : vector<16xi32>
        %bitcast3A_781 = vector.bitcast %shift_left3A_780 : vector<16xi32> to vector<16xf32>
        %and3A_782 = arith.andi %bitcast3A_777, %broadcast_in_dim3A_3 : vector<16xi32>
        %bitcast3A_783 = vector.bitcast %and3A_782 : vector<16xi32> to vector<16xf32>
        %add3A_784 = arith.addf %add3A_756, %bitcast3A_781 : vector<16xf32>
        %add3A_785 = arith.addf %add3A_757, %bitcast3A_783 : vector<16xf32>
        %add3A_786 = arith.constant 8 : i32
        %add3A_787 = arith.addi %mul3A_551, %add3A_786 : i32
        %get3A_788 = arith.index_cast %add3A_787 : i32 to index
        %get3A_789 = arith.constant 32 : index
        %get3A_790 = tpu.vector_load %arg6[%get3A_788, %get3A_789] {strides = array<i32>} : memref<384x64xbf16, #tpu.memory_space<vmem>>, vector<32xbf16>,
        %bitcast3A_791 = vector.bitcast %get3A_790 : vector<32xbf16> to vector<16xi32>
        %shift_left3A_792 = arith.constant 16 : i32
        %shift_left3A_793 = vector.broadcast %shift_left3A_792 : i32 to vector<16xi32>
        %shift_left3A_794 = arith.shli %bitcast3A_791, %shift_left3A_793 : vector<16xi32>
        %bitcast3A_795 = vector.bitcast %shift_left3A_794 : vector<16xi32> to vector<16xf32>
        %and3A_796 = arith.andi %bitcast3A_791, %broadcast_in_dim3A_3 : vector<16xi32>
        %bitcast3A_797 = vector.bitcast %and3A_796 : vector<16xi32> to vector<16xf32>
        %add3A_798 = arith.addf %add3A_770, %bitcast3A_795 : vector<16xf32>
        %add3A_799 = arith.addf %add3A_771, %bitcast3A_797 : vector<16xf32>
        %add3A_800 = arith.constant 9 : i32
        %add3A_801 = arith.addi %mul3A_551, %add3A_800 : i32
        %get3A_802 = arith.index_cast %add3A_801 : i32 to index
        %get3A_803 = arith.constant 0 : index
        %get3A_804 = tpu.vector_load %arg6[%get3A_802, %get3A_803] {strides = array<i32>} : memref<384x64xbf16, #tpu.memory_space<vmem>>, vector<32xbf16>,
        %bitcast3A_805 = vector.bitcast %get3A_804 : vector<32xbf16> to vector<16xi32>
        %shift_left3A_806 = arith.constant 16 : i32
        %shift_left3A_807 = vector.broadcast %shift_left3A_806 : i32 to vector<16xi32>
        %shift_left3A_808 = arith.shli %bitcast3A_805, %shift_left3A_807 : vector<16xi32>
        %bitcast3A_809 = vector.bitcast %shift_left3A_808 : vector<16xi32> to vector<16xf32>
        %and3A_810 = arith.andi %bitcast3A_805, %broadcast_in_dim3A_3 : vector<16xi32>
        %bitcast3A_811 = vector.bitcast %and3A_810 : vector<16xi32> to vector<16xf32>
        %add3A_812 = arith.addf %add3A_784, %bitcast3A_809 : vector<16xf32>
        %add3A_813 = arith.addf %add3A_785, %bitcast3A_811 : vector<16xf32>
        %add3A_814 = arith.constant 9 : i32
        %add3A_815 = arith.addi %mul3A_551, %add3A_814 : i32
        %get3A_816 = arith.index_cast %add3A_815 : i32 to index
        %get3A_817 = arith.constant 32 : index
        %get3A_818 = tpu.vector_load %arg6[%get3A_816, %get3A_817] {strides = array<i32>} : memref<384x64xbf16, #tpu.memory_space<vmem>>, vector<32xbf16>,
        %bitcast3A_819 = vector.bitcast %get3A_818 : vector<32xbf16> to vector<16xi32>
        %shift_left3A_820 = arith.constant 16 : i32
        %shift_left3A_821 = vector.broadcast %shift_left3A_820 : i32 to vector<16xi32>
        %shift_left3A_822 = arith.shli %bitcast3A_819, %shift_left3A_821 : vector<16xi32>
        %bitcast3A_823 = vector.bitcast %shift_left3A_822 : vector<16xi32> to vector<16xf32>
        %and3A_824 = arith.andi %bitcast3A_819, %broadcast_in_dim3A_3 : vector<16xi32>
        %bitcast3A_825 = vector.bitcast %and3A_824 : vector<16xi32> to vector<16xf32>
        %add3A_826 = arith.addf %add3A_798, %bitcast3A_823 : vector<16xf32>
        %add3A_827 = arith.addf %add3A_799, %bitcast3A_825 : vector<16xf32>
        %add3A_828 = arith.constant 10 : i32
        %add3A_829 = arith.addi %mul3A_551, %add3A_828 : i32
        %get3A_830 = arith.index_cast %add3A_829 : i32 to index
        %get3A_831 = arith.constant 0 : index
        %get3A_832 = tpu.vector_load %arg6[%get3A_830, %get3A_831] {strides = array<i32>} : memref<384x64xbf16, #tpu.memory_space<vmem>>, vector<32xbf16>,
        %bitcast3A_833 = vector.bitcast %get3A_832 : vector<32xbf16> to vector<16xi32>
        %shift_left3A_834 = arith.constant 16 : i32
        %shift_left3A_835 = vector.broadcast %shift_left3A_834 : i32 to vector<16xi32>
        %shift_left3A_836 = arith.shli %bitcast3A_833, %shift_left3A_835 : vector<16xi32>
        %bitcast3A_837 = vector.bitcast %shift_left3A_836 : vector<16xi32> to vector<16xf32>
        %and3A_838 = arith.andi %bitcast3A_833, %broadcast_in_dim3A_3 : vector<16xi32>
        %bitcast3A_839 = vector.bitcast %and3A_838 : vector<16xi32> to vector<16xf32>
        %add3A_840 = arith.addf %add3A_812, %bitcast3A_837 : vector<16xf32>
        %add3A_841 = arith.addf %add3A_813, %bitcast3A_839 : vector<16xf32>
        %add3A_842 = arith.constant 10 : i32
        %add3A_843 = arith.addi %mul3A_551, %add3A_842 : i32
        %get3A_844 = arith.index_cast %add3A_843 : i32 to index
        %get3A_845 = arith.constant 32 : index
        %get3A_846 = tpu.vector_load %arg6[%get3A_844, %get3A_845] {strides = array<i32>} : memref<384x64xbf16, #tpu.memory_space<vmem>>, vector<32xbf16>,
        %bitcast3A_847 = vector.bitcast %get3A_846 : vector<32xbf16> to vector<16xi32>
        %shift_left3A_848 = arith.constant 16 : i32
        %shift_left3A_849 = vector.broadcast %shift_left3A_848 : i32 to vector<16xi32>
        %shift_left3A_850 = arith.shli %bitcast3A_847, %shift_left3A_849 : vector<16xi32>
        %bitcast3A_851 = vector.bitcast %shift_left3A_850 : vector<16xi32> to vector<16xf32>
        %and3A_852 = arith.andi %bitcast3A_847, %broadcast_in_dim3A_3 : vector<16xi32>
        %bitcast3A_853 = vector.bitcast %and3A_852 : vector<16xi32> to vector<16xf32>
        %add3A_854 = arith.addf %add3A_826, %bitcast3A_851 : vector<16xf32>
        %add3A_855 = arith.addf %add3A_827, %bitcast3A_853 : vector<16xf32>
        %add3A_856 = arith.constant 11 : i32
        %add3A_857 = arith.addi %mul3A_551, %add3A_856 : i32
        %get3A_858 = arith.index_cast %add3A_857 : i32 to index
        %get3A_859 = arith.constant 0 : index
        %get3A_860 = tpu.vector_load %arg6[%get3A_858, %get3A_859] {strides = array<i32>} : memref<384x64xbf16, #tpu.memory_space<vmem>>, vector<32xbf16>,
        %bitcast3A_861 = vector.bitcast %get3A_860 : vector<32xbf16> to vector<16xi32>
        %shift_left3A_862 = arith.constant 16 : i32
        %shift_left3A_863 = vector.broadcast %shift_left3A_862 : i32 to vector<16xi32>
        %shift_left3A_864 = arith.shli %bitcast3A_861, %shift_left3A_863 : vector<16xi32>
        %bitcast3A_865 = vector.bitcast %shift_left3A_864 : vector<16xi32> to vector<16xf32>
        %and3A_866 = arith.andi %bitcast3A_861, %broadcast_in_dim3A_3 : vector<16xi32>
        %bitcast3A_867 = vector.bitcast %and3A_866 : vector<16xi32> to vector<16xf32>
        %add3A_868 = arith.addf %add3A_840, %bitcast3A_865 : vector<16xf32>
        %add3A_869 = arith.addf %add3A_841, %bitcast3A_867 : vector<16xf32>
        %add3A_870 = arith.constant 11 : i32
        %add3A_871 = arith.addi %mul3A_551, %add3A_870 : i32
        %get3A_872 = arith.index_cast %add3A_871 : i32 to index
        %get3A_873 = arith.constant 32 : index
        %get3A_874 = tpu.vector_load %arg6[%get3A_872, %get3A_873] {strides = array<i32>} : memref<384x64xbf16, #tpu.memory_space<vmem>>, vector<32xbf16>,
        %bitcast3A_875 = vector.bitcast %get3A_874 : vector<32xbf16> to vector<16xi32>
        %shift_left3A_876 = arith.constant 16 : i32
        %shift_left3A_877 = vector.broadcast %shift_left3A_876 : i32 to vector<16xi32>
        %shift_left3A_878 = arith.shli %bitcast3A_875, %shift_left3A_877 : vector<16xi32>
        %bitcast3A_879 = vector.bitcast %shift_left3A_878 : vector<16xi32> to vector<16xf32>
        %and3A_880 = arith.andi %bitcast3A_875, %broadcast_in_dim3A_3 : vector<16xi32>
        %bitcast3A_881 = vector.bitcast %and3A_880 : vector<16xi32> to vector<16xf32>
        %add3A_882 = arith.addf %add3A_854, %bitcast3A_879 : vector<16xf32>
        %add3A_883 = arith.addf %add3A_855, %bitcast3A_881 : vector<16xf32>
        %mul3A_884 = arith.constant 32 : i32
        %mul3A_885 = arith.muli %mul3A_71, %mul3A_884 : i32
        %add3A_886 = arith.addi %mul3A_885, %scan3A_549 : i32
        %swap3A_887 = arith.index_cast %add3A_886 : i32 to index
        %swap3A_888 = arith.constant 0 : index
        %swap3A_889 = tpu.vector_load %arg8[%swap3A_887, %swap3A_888] {strides = array<i32>} : memref<512x64xf32, #tpu.memory_space<vmem>>, vector<16xf32>,
        tpu.vector_store %arg8[%swap3A_887, %swap3A_888], %add3A_868 {strides = array<i32>} : memref<512x64xf32, #tpu.memory_space<vmem>>, vector<16xf32>,
        %mul3A_890 = arith.constant 32 : i32
        %mul3A_891 = arith.muli %mul3A_71, %mul3A_890 : i32
        %add3A_892 = arith.addi %mul3A_891, %scan3A_549 : i32
        %swap3A_893 = arith.index_cast %add3A_892 : i32 to index
        %swap3A_894 = arith.constant 16 : index
        %swap3A_895 = tpu.vector_load %arg8[%swap3A_893, %swap3A_894] {strides = array<i32>} : memref<512x64xf32, #tpu.memory_space<vmem>>, vector<16xf32>,
        tpu.vector_store %arg8[%swap3A_893, %swap3A_894], %add3A_869 {strides = array<i32>} : memref<512x64xf32, #tpu.memory_space<vmem>>, vector<16xf32>,
        %mul3A_896 = arith.constant 32 : i32
        %mul3A_897 = arith.muli %mul3A_71, %mul3A_896 : i32
        %add3A_898 = arith.addi %mul3A_897, %scan3A_549 : i32
        %swap3A_899 = arith.index_cast %add3A_898 : i32 to index
        %swap3A_900 = arith.constant 32 : index
        %swap3A_901 = tpu.vector_load %arg8[%swap3A_899, %swap3A_900] {strides = array<i32>} : memref<512x64xf32, #tpu.memory_space<vmem>>, vector<16xf32>,
        tpu.vector_store %arg8[%swap3A_899, %swap3A_900], %add3A_882 {strides = array<i32>} : memref<512x64xf32, #tpu.memory_space<vmem>>, vector<16xf32>,
        %mul3A_902 = arith.constant 32 : i32
        %mul3A_903 = arith.muli %mul3A_71, %mul3A_902 : i32
        %add3A_904 = arith.addi %mul3A_903, %scan3A_549 : i32
        %swap3A_905 = arith.index_cast %add3A_904 : i32 to index
        %swap3A_906 = arith.constant 48 : index
        %swap3A_907 = tpu.vector_load %arg8[%swap3A_905, %swap3A_906] {strides = array<i32>} : memref<512x64xf32, #tpu.memory_space<vmem>>, vector<16xf32>,
        tpu.vector_store %arg8[%swap3A_905, %swap3A_906], %add3A_883 {strides = array<i32>} : memref<512x64xf32, #tpu.memory_space<vmem>>, vector<16xf32>,
        %scan3A_908 = arith.constant 0 : i32
        scf.yield %scan3A_908 : i32
      }
      %scan3A_145 = arith.constant 32 : i32
      %add3A_146 = arith.constant 1 : i32
      %add3A_147 = arith.addi %add3A_73, %add3A_146 : i32
      %lt3A_148 = arith.constant 16 : i32
      %lt3A_149 = arith.cmpi slt, %add3A_147, %lt3A_148 : i32
      %convert_element_type3A = arith.extui %lt3A_149 : i1 to i32
      %cond3A = arith.constant 0 : i32
      %cond3A_150 = arith.cmpi ne, %convert_element_type3A, %cond3A : i32
      scf.if %cond3A_150 {
        %add3A_191 = arith.constant 1 : i32
        %add3A_192 = arith.addi %add3A_73, %add3A_191 : i32
        %mul3A_193 = arith.constant 384 : i32
        %mul3A_194 = arith.muli %add3A_192, %mul3A_193 : i32
        %add3A_195 = arith.constant 0 : i32
        %add3A_196 = arith.addi %mul3A_194, %add3A_195 : i32
        %mul3A_197 = arith.constant 384 : i32
        %mul3A_198 = arith.muli %add3A_192, %mul3A_197 : i32
        %add3A_199 = arith.constant 128 : i32
        %add3A_200 = arith.addi %mul3A_198, %add3A_199 : i32
        %mul3A_201 = arith.constant 384 : i32
        %mul3A_202 = arith.muli %add3A_192, %mul3A_201 : i32
        %add3A_203 = arith.constant 256 : i32
        %add3A_204 = arith.addi %mul3A_202, %add3A_203 : i32
        %dma_start3A_205 = arith.constant 0 : i32
        %dma_start3A_206 = arith.constant 0 : i32
        %dma_start3A_207 = tpu.memref_slice %arg6[%dma_start3A_205, %dma_start3A_206] : memref<384x64xbf16, #tpu.memory_space<vmem>> -> memref<128x64xbf16, #tpu.memory_space<vmem>>
        %dma_start3A_208 = tpu.memref_slice %arg5[%add3A_196] : memref<6144xi32, #tpu.memory_space<vmem>> -> memref<128xi32, #tpu.memory_space<vmem>>
        %dma_start3A_209 = arith.constant 0 : i32
        %dma_start3A_210 = arith.constant 0 : i32
        %dma_start3A_211 = tpu.memref_slice %arg2[%dma_start3A_209, %dma_start3A_210] : memref<10000x64xbf16, #tpu.memory_space<hbm>> -> memref<10000x64xbf16, #tpu.memory_space<hbm>>
        tpu.enqueue_indirect_dma source(%dma_start3A_211 : memref<10000x64xbf16, #tpu.memory_space<hbm>>) target(%dma_start3A_207 : memref<128x64xbf16, #tpu.memory_space<vmem>>) offsets(%dma_start3A_208 : memref<128xi32, #tpu.memory_space<vmem>>) semaphore(%arg9 : memref<!tpu.dma_semaphore, #tpu.memory_space<semaphore_mem>>)
        %dma_start3A_212 = arith.constant 128 : i32
        %dma_start3A_213 = arith.constant 0 : i32
        %dma_start3A_214 = tpu.memref_slice %arg6[%dma_start3A_212, %dma_start3A_213] : memref<384x64xbf16, #tpu.memory_space<vmem>> -> memref<128x64xbf16, #tpu.memory_space<vmem>>
        %dma_start3A_215 = tpu.memref_slice %arg5[%add3A_200] : memref<6144xi32, #tpu.memory_space<vmem>> -> memref<128xi32, #tpu.memory_space<vmem>>
        %dma_start3A_216 = arith.constant 0 : i32
        %dma_start3A_217 = arith.constant 0 : i32
        %dma_start3A_218 = tpu.memref_slice %arg2[%dma_start3A_216, %dma_start3A_217] : memref<10000x64xbf16, #tpu.memory_space<hbm>> -> memref<10000x64xbf16, #tpu.memory_space<hbm>>
        tpu.enqueue_indirect_dma source(%dma_start3A_218 : memref<10000x64xbf16, #tpu.memory_space<hbm>>) target(%dma_start3A_214 : memref<128x64xbf16, #tpu.memory_space<vmem>>) offsets(%dma_start3A_215 : memref<128xi32, #tpu.memory_space<vmem>>) semaphore(%arg9 : memref<!tpu.dma_semaphore, #tpu.memory_space<semaphore_mem>>)
        %dma_start3A_219 = arith.constant 256 : i32
        %dma_start3A_220 = arith.constant 0 : i32
        %dma_start3A_221 = tpu.memref_slice %arg6[%dma_start3A_219, %dma_start3A_220] : memref<384x64xbf16, #tpu.memory_space<vmem>> -> memref<128x64xbf16, #tpu.memory_space<vmem>>
        %dma_start3A_222 = tpu.memref_slice %arg5[%add3A_204] : memref<6144xi32, #tpu.memory_space<vmem>> -> memref<128xi32, #tpu.memory_space<vmem>>
        %dma_start3A_223 = arith.constant 0 : i32
        %dma_start3A_224 = arith.constant 0 : i32
        %dma_start3A_225 = tpu.memref_slice %arg2[%dma_start3A_223, %dma_start3A_224] : memref<10000x64xbf16, #tpu.memory_space<hbm>> -> memref<10000x64xbf16, #tpu.memory_space<hbm>>
        tpu.enqueue_indirect_dma source(%dma_start3A_225 : memref<10000x64xbf16, #tpu.memory_space<hbm>>) target(%dma_start3A_221 : memref<128x64xbf16, #tpu.memory_space<vmem>>) offsets(%dma_start3A_222 : memref<128xi32, #tpu.memory_space<vmem>>) semaphore(%arg9 : memref<!tpu.dma_semaphore, #tpu.memory_space<semaphore_mem>>)
      } else {
      }
      %mul3A_151 = arith.constant 384 : i32
      %mul3A_152 = arith.muli %add3A_73, %mul3A_151 : i32
      %add3A_153 = arith.constant 0 : i32
      %add3A_154 = arith.addi %mul3A_152, %add3A_153 : i32
      %mul3A_155 = arith.constant 384 : i32
      %mul3A_156 = arith.muli %add3A_73, %mul3A_155 : i32
      %add3A_157 = arith.constant 128 : i32
      %add3A_158 = arith.addi %mul3A_156, %add3A_157 : i32
      %mul3A_159 = arith.constant 384 : i32
      %mul3A_160 = arith.muli %add3A_73, %mul3A_159 : i32
      %add3A_161 = arith.constant 256 : i32
      %add3A_162 = arith.addi %mul3A_160, %add3A_161 : i32
      %dma_wait3A_163 = arith.constant 0 : i32
      %dma_wait3A_164 = arith.constant 0 : i32
      %dma_wait3A_165 = tpu.memref_slice %arg7[%dma_wait3A_163, %dma_wait3A_164] : memref<384x64xbf16, #tpu.memory_space<vmem>> -> memref<128x64xbf16, #tpu.memory_space<vmem>>
      %dma_wait3A_166 = tpu.memref_slice %arg5[%add3A_154] : memref<6144xi32, #tpu.memory_space<vmem>> -> memref<128xi32, #tpu.memory_space<vmem>>
      %dma_wait3A_167 = arith.constant 0 : i32
      %dma_wait3A_168 = arith.constant 0 : i32
      %dma_wait3A_169 = tpu.memref_slice %arg2[%dma_wait3A_167, %dma_wait3A_168] : memref<10000x64xbf16, #tpu.memory_space<hbm>> -> memref<10000x64xbf16, #tpu.memory_space<hbm>>
      tpu.wait_indirect_dma semaphore(%arg10 : memref<!tpu.dma_semaphore, #tpu.memory_space<semaphore_mem>>) src(%dma_wait3A_169 : memref<10000x64xbf16, #tpu.memory_space<hbm>>) dst(%dma_wait3A_165 : memref<128x64xbf16, #tpu.memory_space<vmem>>)
      %dma_wait3A_170 = arith.constant 128 : i32
      %dma_wait3A_171 = arith.constant 0 : i32
      %dma_wait3A_172 = tpu.memref_slice %arg7[%dma_wait3A_170, %dma_wait3A_171] : memref<384x64xbf16, #tpu.memory_space<vmem>> -> memref<128x64xbf16, #tpu.memory_space<vmem>>
      %dma_wait3A_173 = tpu.memref_slice %arg5[%add3A_158] : memref<6144xi32, #tpu.memory_space<vmem>> -> memref<128xi32, #tpu.memory_space<vmem>>
      %dma_wait3A_174 = arith.constant 0 : i32
      %dma_wait3A_175 = arith.constant 0 : i32
      %dma_wait3A_176 = tpu.memref_slice %arg2[%dma_wait3A_174, %dma_wait3A_175] : memref<10000x64xbf16, #tpu.memory_space<hbm>> -> memref<10000x64xbf16, #tpu.memory_space<hbm>>
      tpu.wait_indirect_dma semaphore(%arg10 : memref<!tpu.dma_semaphore, #tpu.memory_space<semaphore_mem>>) src(%dma_wait3A_176 : memref<10000x64xbf16, #tpu.memory_space<hbm>>) dst(%dma_wait3A_172 : memref<128x64xbf16, #tpu.memory_space<vmem>>)
      %dma_wait3A_177 = arith.constant 256 : i32
      %dma_wait3A_178 = arith.constant 0 : i32
      %dma_wait3A_179 = tpu.memref_slice %arg7[%dma_wait3A_177, %dma_wait3A_178] : memref<384x64xbf16, #tpu.memory_space<vmem>> -> memref<128x64xbf16, #tpu.memory_space<vmem>>
      %dma_wait3A_180 = tpu.memref_slice %arg5[%add3A_162] : memref<6144xi32, #tpu.memory_space<vmem>> -> memref<128xi32, #tpu.memory_space<vmem>>
      %dma_wait3A_181 = arith.constant 0 : i32
      %dma_wait3A_182 = arith.constant 0 : i32
      %dma_wait3A_183 = tpu.memref_slice %arg2[%dma_wait3A_181, %dma_wait3A_182] : memref<10000x64xbf16, #tpu.memory_space<hbm>> -> memref<10000x64xbf16, #tpu.memory_space<hbm>>
      tpu.wait_indirect_dma semaphore(%arg10 : memref<!tpu.dma_semaphore, #tpu.memory_space<semaphore_mem>>) src(%dma_wait3A_183 : memref<10000x64xbf16, #tpu.memory_space<hbm>>) dst(%dma_wait3A_179 : memref<128x64xbf16, #tpu.memory_space<vmem>>)
      %scan3A_184 = arith.constant 0 : i32
      %scan3A_185 = arith.constant 0 : i32
      %scan3A_186 = arith.constant 32 : i32
      %scan3A_187 = arith.addi %scan3A_185, %scan3A_186 : i32
      %scan3A_188 = arith.constant 2 : i32
      %scan3A_189 = scf.for %scan3A_191 = %scan3A_185 to %scan3A_187 step %scan3A_188 iter_args(%scan3A_192 = %scan3A_184) -> (i32)  : i32 {
        %mul3A_193 = arith.constant 12 : i32
        %mul3A_194 = arith.muli %scan3A_191, %mul3A_193 : i32
        %add3A_195 = arith.constant 0 : i32
        %add3A_196 = arith.addi %mul3A_194, %add3A_195 : i32
        %get3A = arith.index_cast %add3A_196 : i32 to index
        %get3A_197 = arith.constant 0 : index
        %get3A_198 = tpu.vector_load %arg7[%get3A, %get3A_197] {strides = array<i32>} : memref<384x64xbf16, #tpu.memory_space<vmem>>, vector<32xbf16>,
        %bitcast3A = vector.bitcast %get3A_198 : vector<32xbf16> to vector<16xi32>
        %shift_left3A = arith.constant 16 : i32
        %shift_left3A_199 = vector.broadcast %shift_left3A : i32 to vector<16xi32>
        %shift_left3A_200 = arith.shli %bitcast3A, %shift_left3A_199 : vector<16xi32>
        %bitcast3A_201 = vector.bitcast %shift_left3A_200 : vector<16xi32> to vector<16xf32>
        %and3A_202 = arith.andi %bitcast3A, %broadcast_in_dim3A_3 : vector<16xi32>
        %bitcast3A_203 = vector.bitcast %and3A_202 : vector<16xi32> to vector<16xf32>
        %add3A_204 = arith.constant 0 : i32
        %add3A_205 = arith.addi %mul3A_194, %add3A_204 : i32
        %get3A_206 = arith.index_cast %add3A_205 : i32 to index
        %get3A_207 = arith.constant 32 : index
        %get3A_208 = tpu.vector_load %arg7[%get3A_206, %get3A_207] {strides = array<i32>} : memref<384x64xbf16, #tpu.memory_space<vmem>>, vector<32xbf16>,
        %bitcast3A_209 = vector.bitcast %get3A_208 : vector<32xbf16> to vector<16xi32>
        %shift_left3A_210 = arith.constant 16 : i32
        %shift_left3A_211 = vector.broadcast %shift_left3A_210 : i32 to vector<16xi32>
        %shift_left3A_212 = arith.shli %bitcast3A_209, %shift_left3A_211 : vector<16xi32>
        %bitcast3A_213 = vector.bitcast %shift_left3A_212 : vector<16xi32> to vector<16xf32>
        %and3A_214 = arith.andi %bitcast3A_209, %broadcast_in_dim3A_3 : vector<16xi32>
        %bitcast3A_215 = vector.bitcast %and3A_214 : vector<16xi32> to vector<16xf32>
        %add3A_216 = arith.constant 1 : i32
        %add3A_217 = arith.addi %mul3A_194, %add3A_216 : i32
        %get3A_218 = arith.index_cast %add3A_217 : i32 to index
        %get3A_219 = arith.constant 0 : index
        %get3A_220 = tpu.vector_load %arg7[%get3A_218, %get3A_219] {strides = array<i32>} : memref<384x64xbf16, #tpu.memory_space<vmem>>, vector<32xbf16>,
        %bitcast3A_221 = vector.bitcast %get3A_220 : vector<32xbf16> to vector<16xi32>
        %shift_left3A_222 = arith.constant 16 : i32
        %shift_left3A_223 = vector.broadcast %shift_left3A_222 : i32 to vector<16xi32>
        %shift_left3A_224 = arith.shli %bitcast3A_221, %shift_left3A_223 : vector<16xi32>
        %bitcast3A_225 = vector.bitcast %shift_left3A_224 : vector<16xi32> to vector<16xf32>
        %and3A_226 = arith.andi %bitcast3A_221, %broadcast_in_dim3A_3 : vector<16xi32>
        %bitcast3A_227 = vector.bitcast %and3A_226 : vector<16xi32> to vector<16xf32>
        %add3A_228 = arith.addf %bitcast3A_201, %bitcast3A_225 : vector<16xf32>
        %add3A_229 = arith.addf %bitcast3A_203, %bitcast3A_227 : vector<16xf32>
        %add3A_230 = arith.constant 1 : i32
        %add3A_231 = arith.addi %mul3A_194, %add3A_230 : i32
        %get3A_232 = arith.index_cast %add3A_231 : i32 to index
        %get3A_233 = arith.constant 32 : index
        %get3A_234 = tpu.vector_load %arg7[%get3A_232, %get3A_233] {strides = array<i32>} : memref<384x64xbf16, #tpu.memory_space<vmem>>, vector<32xbf16>,
        %bitcast3A_235 = vector.bitcast %get3A_234 : vector<32xbf16> to vector<16xi32>
        %shift_left3A_236 = arith.constant 16 : i32
        %shift_left3A_237 = vector.broadcast %shift_left3A_236 : i32 to vector<16xi32>
        %shift_left3A_238 = arith.shli %bitcast3A_235, %shift_left3A_237 : vector<16xi32>
        %bitcast3A_239 = vector.bitcast %shift_left3A_238 : vector<16xi32> to vector<16xf32>
        %and3A_240 = arith.andi %bitcast3A_235, %broadcast_in_dim3A_3 : vector<16xi32>
        %bitcast3A_241 = vector.bitcast %and3A_240 : vector<16xi32> to vector<16xf32>
        %add3A_242 = arith.addf %bitcast3A_213, %bitcast3A_239 : vector<16xf32>
        %add3A_243 = arith.addf %bitcast3A_215, %bitcast3A_241 : vector<16xf32>
        %add3A_244 = arith.constant 2 : i32
        %add3A_245 = arith.addi %mul3A_194, %add3A_244 : i32
        %get3A_246 = arith.index_cast %add3A_245 : i32 to index
        %get3A_247 = arith.constant 0 : index
        %get3A_248 = tpu.vector_load %arg7[%get3A_246, %get3A_247] {strides = array<i32>} : memref<384x64xbf16, #tpu.memory_space<vmem>>, vector<32xbf16>,
        %bitcast3A_249 = vector.bitcast %get3A_248 : vector<32xbf16> to vector<16xi32>
        %shift_left3A_250 = arith.constant 16 : i32
        %shift_left3A_251 = vector.broadcast %shift_left3A_250 : i32 to vector<16xi32>
        %shift_left3A_252 = arith.shli %bitcast3A_249, %shift_left3A_251 : vector<16xi32>
        %bitcast3A_253 = vector.bitcast %shift_left3A_252 : vector<16xi32> to vector<16xf32>
        %and3A_254 = arith.andi %bitcast3A_249, %broadcast_in_dim3A_3 : vector<16xi32>
        %bitcast3A_255 = vector.bitcast %and3A_254 : vector<16xi32> to vector<16xf32>
        %add3A_256 = arith.addf %add3A_228, %bitcast3A_253 : vector<16xf32>
        %add3A_257 = arith.addf %add3A_229, %bitcast3A_255 : vector<16xf32>
        %add3A_258 = arith.constant 2 : i32
        %add3A_259 = arith.addi %mul3A_194, %add3A_258 : i32
        %get3A_260 = arith.index_cast %add3A_259 : i32 to index
        %get3A_261 = arith.constant 32 : index
        %get3A_262 = tpu.vector_load %arg7[%get3A_260, %get3A_261] {strides = array<i32>} : memref<384x64xbf16, #tpu.memory_space<vmem>>, vector<32xbf16>,
        %bitcast3A_263 = vector.bitcast %get3A_262 : vector<32xbf16> to vector<16xi32>
        %shift_left3A_264 = arith.constant 16 : i32
        %shift_left3A_265 = vector.broadcast %shift_left3A_264 : i32 to vector<16xi32>
        %shift_left3A_266 = arith.shli %bitcast3A_263, %shift_left3A_265 : vector<16xi32>
        %bitcast3A_267 = vector.bitcast %shift_left3A_266 : vector<16xi32> to vector<16xf32>
        %and3A_268 = arith.andi %bitcast3A_263, %broadcast_in_dim3A_3 : vector<16xi32>
        %bitcast3A_269 = vector.bitcast %and3A_268 : vector<16xi32> to vector<16xf32>
        %add3A_270 = arith.addf %add3A_242, %bitcast3A_267 : vector<16xf32>
        %add3A_271 = arith.addf %add3A_243, %bitcast3A_269 : vector<16xf32>
        %add3A_272 = arith.constant 3 : i32
        %add3A_273 = arith.addi %mul3A_194, %add3A_272 : i32
        %get3A_274 = arith.index_cast %add3A_273 : i32 to index
        %get3A_275 = arith.constant 0 : index
        %get3A_276 = tpu.vector_load %arg7[%get3A_274, %get3A_275] {strides = array<i32>} : memref<384x64xbf16, #tpu.memory_space<vmem>>, vector<32xbf16>,
        %bitcast3A_277 = vector.bitcast %get3A_276 : vector<32xbf16> to vector<16xi32>
        %shift_left3A_278 = arith.constant 16 : i32
        %shift_left3A_279 = vector.broadcast %shift_left3A_278 : i32 to vector<16xi32>
        %shift_left3A_280 = arith.shli %bitcast3A_277, %shift_left3A_279 : vector<16xi32>
        %bitcast3A_281 = vector.bitcast %shift_left3A_280 : vector<16xi32> to vector<16xf32>
        %and3A_282 = arith.andi %bitcast3A_277, %broadcast_in_dim3A_3 : vector<16xi32>
        %bitcast3A_283 = vector.bitcast %and3A_282 : vector<16xi32> to vector<16xf32>
        %add3A_284 = arith.addf %add3A_256, %bitcast3A_281 : vector<16xf32>
        %add3A_285 = arith.addf %add3A_257, %bitcast3A_283 : vector<16xf32>
        %add3A_286 = arith.constant 3 : i32
        %add3A_287 = arith.addi %mul3A_194, %add3A_286 : i32
        %get3A_288 = arith.index_cast %add3A_287 : i32 to index
        %get3A_289 = arith.constant 32 : index
        %get3A_290 = tpu.vector_load %arg7[%get3A_288, %get3A_289] {strides = array<i32>} : memref<384x64xbf16, #tpu.memory_space<vmem>>, vector<32xbf16>,
        %bitcast3A_291 = vector.bitcast %get3A_290 : vector<32xbf16> to vector<16xi32>
        %shift_left3A_292 = arith.constant 16 : i32
        %shift_left3A_293 = vector.broadcast %shift_left3A_292 : i32 to vector<16xi32>
        %shift_left3A_294 = arith.shli %bitcast3A_291, %shift_left3A_293 : vector<16xi32>
        %bitcast3A_295 = vector.bitcast %shift_left3A_294 : vector<16xi32> to vector<16xf32>
        %and3A_296 = arith.andi %bitcast3A_291, %broadcast_in_dim3A_3 : vector<16xi32>
        %bitcast3A_297 = vector.bitcast %and3A_296 : vector<16xi32> to vector<16xf32>
        %add3A_298 = arith.addf %add3A_270, %bitcast3A_295 : vector<16xf32>
        %add3A_299 = arith.addf %add3A_271, %bitcast3A_297 : vector<16xf32>
        %add3A_300 = arith.constant 4 : i32
        %add3A_301 = arith.addi %mul3A_194, %add3A_300 : i32
        %get3A_302 = arith.index_cast %add3A_301 : i32 to index
        %get3A_303 = arith.constant 0 : index
        %get3A_304 = tpu.vector_load %arg7[%get3A_302, %get3A_303] {strides = array<i32>} : memref<384x64xbf16, #tpu.memory_space<vmem>>, vector<32xbf16>,
        %bitcast3A_305 = vector.bitcast %get3A_304 : vector<32xbf16> to vector<16xi32>
        %shift_left3A_306 = arith.constant 16 : i32
        %shift_left3A_307 = vector.broadcast %shift_left3A_306 : i32 to vector<16xi32>
        %shift_left3A_308 = arith.shli %bitcast3A_305, %shift_left3A_307 : vector<16xi32>
        %bitcast3A_309 = vector.bitcast %shift_left3A_308 : vector<16xi32> to vector<16xf32>
        %and3A_310 = arith.andi %bitcast3A_305, %broadcast_in_dim3A_3 : vector<16xi32>
        %bitcast3A_311 = vector.bitcast %and3A_310 : vector<16xi32> to vector<16xf32>
        %add3A_312 = arith.addf %add3A_284, %bitcast3A_309 : vector<16xf32>
        %add3A_313 = arith.addf %add3A_285, %bitcast3A_311 : vector<16xf32>
        %add3A_314 = arith.constant 4 : i32
        %add3A_315 = arith.addi %mul3A_194, %add3A_314 : i32
        %get3A_316 = arith.index_cast %add3A_315 : i32 to index
        %get3A_317 = arith.constant 32 : index
        %get3A_318 = tpu.vector_load %arg7[%get3A_316, %get3A_317] {strides = array<i32>} : memref<384x64xbf16, #tpu.memory_space<vmem>>, vector<32xbf16>,
        %bitcast3A_319 = vector.bitcast %get3A_318 : vector<32xbf16> to vector<16xi32>
        %shift_left3A_320 = arith.constant 16 : i32
        %shift_left3A_321 = vector.broadcast %shift_left3A_320 : i32 to vector<16xi32>
        %shift_left3A_322 = arith.shli %bitcast3A_319, %shift_left3A_321 : vector<16xi32>
        %bitcast3A_323 = vector.bitcast %shift_left3A_322 : vector<16xi32> to vector<16xf32>
        %and3A_324 = arith.andi %bitcast3A_319, %broadcast_in_dim3A_3 : vector<16xi32>
        %bitcast3A_325 = vector.bitcast %and3A_324 : vector<16xi32> to vector<16xf32>
        %add3A_326 = arith.addf %add3A_298, %bitcast3A_323 : vector<16xf32>
        %add3A_327 = arith.addf %add3A_299, %bitcast3A_325 : vector<16xf32>
        %add3A_328 = arith.constant 5 : i32
        %add3A_329 = arith.addi %mul3A_194, %add3A_328 : i32
        %get3A_330 = arith.index_cast %add3A_329 : i32 to index
        %get3A_331 = arith.constant 0 : index
        %get3A_332 = tpu.vector_load %arg7[%get3A_330, %get3A_331] {strides = array<i32>} : memref<384x64xbf16, #tpu.memory_space<vmem>>, vector<32xbf16>,
        %bitcast3A_333 = vector.bitcast %get3A_332 : vector<32xbf16> to vector<16xi32>
        %shift_left3A_334 = arith.constant 16 : i32
        %shift_left3A_335 = vector.broadcast %shift_left3A_334 : i32 to vector<16xi32>
        %shift_left3A_336 = arith.shli %bitcast3A_333, %shift_left3A_335 : vector<16xi32>
        %bitcast3A_337 = vector.bitcast %shift_left3A_336 : vector<16xi32> to vector<16xf32>
        %and3A_338 = arith.andi %bitcast3A_333, %broadcast_in_dim3A_3 : vector<16xi32>
        %bitcast3A_339 = vector.bitcast %and3A_338 : vector<16xi32> to vector<16xf32>
        %add3A_340 = arith.addf %add3A_312, %bitcast3A_337 : vector<16xf32>
        %add3A_341 = arith.addf %add3A_313, %bitcast3A_339 : vector<16xf32>
        %add3A_342 = arith.constant 5 : i32
        %add3A_343 = arith.addi %mul3A_194, %add3A_342 : i32
        %get3A_344 = arith.index_cast %add3A_343 : i32 to index
        %get3A_345 = arith.constant 32 : index
        %get3A_346 = tpu.vector_load %arg7[%get3A_344, %get3A_345] {strides = array<i32>} : memref<384x64xbf16, #tpu.memory_space<vmem>>, vector<32xbf16>,
        %bitcast3A_347 = vector.bitcast %get3A_346 : vector<32xbf16> to vector<16xi32>
        %shift_left3A_348 = arith.constant 16 : i32
        %shift_left3A_349 = vector.broadcast %shift_left3A_348 : i32 to vector<16xi32>
        %shift_left3A_350 = arith.shli %bitcast3A_347, %shift_left3A_349 : vector<16xi32>
        %bitcast3A_351 = vector.bitcast %shift_left3A_350 : vector<16xi32> to vector<16xf32>
        %and3A_352 = arith.andi %bitcast3A_347, %broadcast_in_dim3A_3 : vector<16xi32>
        %bitcast3A_353 = vector.bitcast %and3A_352 : vector<16xi32> to vector<16xf32>
        %add3A_354 = arith.addf %add3A_326, %bitcast3A_351 : vector<16xf32>
        %add3A_355 = arith.addf %add3A_327, %bitcast3A_353 : vector<16xf32>
        %add3A_356 = arith.constant 6 : i32
        %add3A_357 = arith.addi %mul3A_194, %add3A_356 : i32
        %get3A_358 = arith.index_cast %add3A_357 : i32 to index
        %get3A_359 = arith.constant 0 : index
        %get3A_360 = tpu.vector_load %arg7[%get3A_358, %get3A_359] {strides = array<i32>} : memref<384x64xbf16, #tpu.memory_space<vmem>>, vector<32xbf16>,
        %bitcast3A_361 = vector.bitcast %get3A_360 : vector<32xbf16> to vector<16xi32>
        %shift_left3A_362 = arith.constant 16 : i32
        %shift_left3A_363 = vector.broadcast %shift_left3A_362 : i32 to vector<16xi32>
        %shift_left3A_364 = arith.shli %bitcast3A_361, %shift_left3A_363 : vector<16xi32>
        %bitcast3A_365 = vector.bitcast %shift_left3A_364 : vector<16xi32> to vector<16xf32>
        %and3A_366 = arith.andi %bitcast3A_361, %broadcast_in_dim3A_3 : vector<16xi32>
        %bitcast3A_367 = vector.bitcast %and3A_366 : vector<16xi32> to vector<16xf32>
        %add3A_368 = arith.addf %add3A_340, %bitcast3A_365 : vector<16xf32>
        %add3A_369 = arith.addf %add3A_341, %bitcast3A_367 : vector<16xf32>
        %add3A_370 = arith.constant 6 : i32
        %add3A_371 = arith.addi %mul3A_194, %add3A_370 : i32
        %get3A_372 = arith.index_cast %add3A_371 : i32 to index
        %get3A_373 = arith.constant 32 : index
        %get3A_374 = tpu.vector_load %arg7[%get3A_372, %get3A_373] {strides = array<i32>} : memref<384x64xbf16, #tpu.memory_space<vmem>>, vector<32xbf16>,
        %bitcast3A_375 = vector.bitcast %get3A_374 : vector<32xbf16> to vector<16xi32>
        %shift_left3A_376 = arith.constant 16 : i32
        %shift_left3A_377 = vector.broadcast %shift_left3A_376 : i32 to vector<16xi32>
        %shift_left3A_378 = arith.shli %bitcast3A_375, %shift_left3A_377 : vector<16xi32>
        %bitcast3A_379 = vector.bitcast %shift_left3A_378 : vector<16xi32> to vector<16xf32>
        %and3A_380 = arith.andi %bitcast3A_375, %broadcast_in_dim3A_3 : vector<16xi32>
        %bitcast3A_381 = vector.bitcast %and3A_380 : vector<16xi32> to vector<16xf32>
        %add3A_382 = arith.addf %add3A_354, %bitcast3A_379 : vector<16xf32>
        %add3A_383 = arith.addf %add3A_355, %bitcast3A_381 : vector<16xf32>
        %add3A_384 = arith.constant 7 : i32
        %add3A_385 = arith.addi %mul3A_194, %add3A_384 : i32
        %get3A_386 = arith.index_cast %add3A_385 : i32 to index
        %get3A_387 = arith.constant 0 : index
        %get3A_388 = tpu.vector_load %arg7[%get3A_386, %get3A_387] {strides = array<i32>} : memref<384x64xbf16, #tpu.memory_space<vmem>>, vector<32xbf16>,
        %bitcast3A_389 = vector.bitcast %get3A_388 : vector<32xbf16> to vector<16xi32>
        %shift_left3A_390 = arith.constant 16 : i32
        %shift_left3A_391 = vector.broadcast %shift_left3A_390 : i32 to vector<16xi32>
        %shift_left3A_392 = arith.shli %bitcast3A_389, %shift_left3A_391 : vector<16xi32>
        %bitcast3A_393 = vector.bitcast %shift_left3A_392 : vector<16xi32> to vector<16xf32>
        %and3A_394 = arith.andi %bitcast3A_389, %broadcast_in_dim3A_3 : vector<16xi32>
        %bitcast3A_395 = vector.bitcast %and3A_394 : vector<16xi32> to vector<16xf32>
        %add3A_396 = arith.addf %add3A_368, %bitcast3A_393 : vector<16xf32>
        %add3A_397 = arith.addf %add3A_369, %bitcast3A_395 : vector<16xf32>
        %add3A_398 = arith.constant 7 : i32
        %add3A_399 = arith.addi %mul3A_194, %add3A_398 : i32
        %get3A_400 = arith.index_cast %add3A_399 : i32 to index
        %get3A_401 = arith.constant 32 : index
        %get3A_402 = tpu.vector_load %arg7[%get3A_400, %get3A_401] {strides = array<i32>} : memref<384x64xbf16, #tpu.memory_space<vmem>>, vector<32xbf16>,
        %bitcast3A_403 = vector.bitcast %get3A_402 : vector<32xbf16> to vector<16xi32>
        %shift_left3A_404 = arith.constant 16 : i32
        %shift_left3A_405 = vector.broadcast %shift_left3A_404 : i32 to vector<16xi32>
        %shift_left3A_406 = arith.shli %bitcast3A_403, %shift_left3A_405 : vector<16xi32>
        %bitcast3A_407 = vector.bitcast %shift_left3A_406 : vector<16xi32> to vector<16xf32>
        %and3A_408 = arith.andi %bitcast3A_403, %broadcast_in_dim3A_3 : vector<16xi32>
        %bitcast3A_409 = vector.bitcast %and3A_408 : vector<16xi32> to vector<16xf32>
        %add3A_410 = arith.addf %add3A_382, %bitcast3A_407 : vector<16xf32>
        %add3A_411 = arith.addf %add3A_383, %bitcast3A_409 : vector<16xf32>
        %add3A_412 = arith.constant 8 : i32
        %add3A_413 = arith.addi %mul3A_194, %add3A_412 : i32
        %get3A_414 = arith.index_cast %add3A_413 : i32 to index
        %get3A_415 = arith.constant 0 : index
        %get3A_416 = tpu.vector_load %arg7[%get3A_414, %get3A_415] {strides = array<i32>} : memref<384x64xbf16, #tpu.memory_space<vmem>>, vector<32xbf16>,
        %bitcast3A_417 = vector.bitcast %get3A_416 : vector<32xbf16> to vector<16xi32>
        %shift_left3A_418 = arith.constant 16 : i32
        %shift_left3A_419 = vector.broadcast %shift_left3A_418 : i32 to vector<16xi32>
        %shift_left3A_420 = arith.shli %bitcast3A_417, %shift_left3A_419 : vector<16xi32>
        %bitcast3A_421 = vector.bitcast %shift_left3A_420 : vector<16xi32> to vector<16xf32>
        %and3A_422 = arith.andi %bitcast3A_417, %broadcast_in_dim3A_3 : vector<16xi32>
        %bitcast3A_423 = vector.bitcast %and3A_422 : vector<16xi32> to vector<16xf32>
        %add3A_424 = arith.addf %add3A_396, %bitcast3A_421 : vector<16xf32>
        %add3A_425 = arith.addf %add3A_397, %bitcast3A_423 : vector<16xf32>
        %add3A_426 = arith.constant 8 : i32
        %add3A_427 = arith.addi %mul3A_194, %add3A_426 : i32
        %get3A_428 = arith.index_cast %add3A_427 : i32 to index
        %get3A_429 = arith.constant 32 : index
        %get3A_430 = tpu.vector_load %arg7[%get3A_428, %get3A_429] {strides = array<i32>} : memref<384x64xbf16, #tpu.memory_space<vmem>>, vector<32xbf16>,
        %bitcast3A_431 = vector.bitcast %get3A_430 : vector<32xbf16> to vector<16xi32>
        %shift_left3A_432 = arith.constant 16 : i32
        %shift_left3A_433 = vector.broadcast %shift_left3A_432 : i32 to vector<16xi32>
        %shift_left3A_434 = arith.shli %bitcast3A_431, %shift_left3A_433 : vector<16xi32>
        %bitcast3A_435 = vector.bitcast %shift_left3A_434 : vector<16xi32> to vector<16xf32>
        %and3A_436 = arith.andi %bitcast3A_431, %broadcast_in_dim3A_3 : vector<16xi32>
        %bitcast3A_437 = vector.bitcast %and3A_436 : vector<16xi32> to vector<16xf32>
        %add3A_438 = arith.addf %add3A_410, %bitcast3A_435 : vector<16xf32>
        %add3A_439 = arith.addf %add3A_411, %bitcast3A_437 : vector<16xf32>
        %add3A_440 = arith.constant 9 : i32
        %add3A_441 = arith.addi %mul3A_194, %add3A_440 : i32
        %get3A_442 = arith.index_cast %add3A_441 : i32 to index
        %get3A_443 = arith.constant 0 : index
        %get3A_444 = tpu.vector_load %arg7[%get3A_442, %get3A_443] {strides = array<i32>} : memref<384x64xbf16, #tpu.memory_space<vmem>>, vector<32xbf16>,
        %bitcast3A_445 = vector.bitcast %get3A_444 : vector<32xbf16> to vector<16xi32>
        %shift_left3A_446 = arith.constant 16 : i32
        %shift_left3A_447 = vector.broadcast %shift_left3A_446 : i32 to vector<16xi32>
        %shift_left3A_448 = arith.shli %bitcast3A_445, %shift_left3A_447 : vector<16xi32>
        %bitcast3A_449 = vector.bitcast %shift_left3A_448 : vector<16xi32> to vector<16xf32>
        %and3A_450 = arith.andi %bitcast3A_445, %broadcast_in_dim3A_3 : vector<16xi32>
        %bitcast3A_451 = vector.bitcast %and3A_450 : vector<16xi32> to vector<16xf32>
        %add3A_452 = arith.addf %add3A_424, %bitcast3A_449 : vector<16xf32>
        %add3A_453 = arith.addf %add3A_425, %bitcast3A_451 : vector<16xf32>
        %add3A_454 = arith.constant 9 : i32
        %add3A_455 = arith.addi %mul3A_194, %add3A_454 : i32
        %get3A_456 = arith.index_cast %add3A_455 : i32 to index
        %get3A_457 = arith.constant 32 : index
        %get3A_458 = tpu.vector_load %arg7[%get3A_456, %get3A_457] {strides = array<i32>} : memref<384x64xbf16, #tpu.memory_space<vmem>>, vector<32xbf16>,
        %bitcast3A_459 = vector.bitcast %get3A_458 : vector<32xbf16> to vector<16xi32>
        %shift_left3A_460 = arith.constant 16 : i32
        %shift_left3A_461 = vector.broadcast %shift_left3A_460 : i32 to vector<16xi32>
        %shift_left3A_462 = arith.shli %bitcast3A_459, %shift_left3A_461 : vector<16xi32>
        %bitcast3A_463 = vector.bitcast %shift_left3A_462 : vector<16xi32> to vector<16xf32>
        %and3A_464 = arith.andi %bitcast3A_459, %broadcast_in_dim3A_3 : vector<16xi32>
        %bitcast3A_465 = vector.bitcast %and3A_464 : vector<16xi32> to vector<16xf32>
        %add3A_466 = arith.addf %add3A_438, %bitcast3A_463 : vector<16xf32>
        %add3A_467 = arith.addf %add3A_439, %bitcast3A_465 : vector<16xf32>
        %add3A_468 = arith.constant 10 : i32
        %add3A_469 = arith.addi %mul3A_194, %add3A_468 : i32
        %get3A_470 = arith.index_cast %add3A_469 : i32 to index
        %get3A_471 = arith.constant 0 : index
        %get3A_472 = tpu.vector_load %arg7[%get3A_470, %get3A_471] {strides = array<i32>} : memref<384x64xbf16, #tpu.memory_space<vmem>>, vector<32xbf16>,
        %bitcast3A_473 = vector.bitcast %get3A_472 : vector<32xbf16> to vector<16xi32>
        %shift_left3A_474 = arith.constant 16 : i32
        %shift_left3A_475 = vector.broadcast %shift_left3A_474 : i32 to vector<16xi32>
        %shift_left3A_476 = arith.shli %bitcast3A_473, %shift_left3A_475 : vector<16xi32>
        %bitcast3A_477 = vector.bitcast %shift_left3A_476 : vector<16xi32> to vector<16xf32>
        %and3A_478 = arith.andi %bitcast3A_473, %broadcast_in_dim3A_3 : vector<16xi32>
        %bitcast3A_479 = vector.bitcast %and3A_478 : vector<16xi32> to vector<16xf32>
        %add3A_480 = arith.addf %add3A_452, %bitcast3A_477 : vector<16xf32>
        %add3A_481 = arith.addf %add3A_453, %bitcast3A_479 : vector<16xf32>
        %add3A_482 = arith.constant 10 : i32
        %add3A_483 = arith.addi %mul3A_194, %add3A_482 : i32
        %get3A_484 = arith.index_cast %add3A_483 : i32 to index
        %get3A_485 = arith.constant 32 : index
        %get3A_486 = tpu.vector_load %arg7[%get3A_484, %get3A_485] {strides = array<i32>} : memref<384x64xbf16, #tpu.memory_space<vmem>>, vector<32xbf16>,
        %bitcast3A_487 = vector.bitcast %get3A_486 : vector<32xbf16> to vector<16xi32>
        %shift_left3A_488 = arith.constant 16 : i32
        %shift_left3A_489 = vector.broadcast %shift_left3A_488 : i32 to vector<16xi32>
        %shift_left3A_490 = arith.shli %bitcast3A_487, %shift_left3A_489 : vector<16xi32>
        %bitcast3A_491 = vector.bitcast %shift_left3A_490 : vector<16xi32> to vector<16xf32>
        %and3A_492 = arith.andi %bitcast3A_487, %broadcast_in_dim3A_3 : vector<16xi32>
        %bitcast3A_493 = vector.bitcast %and3A_492 : vector<16xi32> to vector<16xf32>
        %add3A_494 = arith.addf %add3A_466, %bitcast3A_491 : vector<16xf32>
        %add3A_495 = arith.addf %add3A_467, %bitcast3A_493 : vector<16xf32>
        %add3A_496 = arith.constant 11 : i32
        %add3A_497 = arith.addi %mul3A_194, %add3A_496 : i32
        %get3A_498 = arith.index_cast %add3A_497 : i32 to index
        %get3A_499 = arith.constant 0 : index
        %get3A_500 = tpu.vector_load %arg7[%get3A_498, %get3A_499] {strides = array<i32>} : memref<384x64xbf16, #tpu.memory_space<vmem>>, vector<32xbf16>,
        %bitcast3A_501 = vector.bitcast %get3A_500 : vector<32xbf16> to vector<16xi32>
        %shift_left3A_502 = arith.constant 16 : i32
        %shift_left3A_503 = vector.broadcast %shift_left3A_502 : i32 to vector<16xi32>
        %shift_left3A_504 = arith.shli %bitcast3A_501, %shift_left3A_503 : vector<16xi32>
        %bitcast3A_505 = vector.bitcast %shift_left3A_504 : vector<16xi32> to vector<16xf32>
        %and3A_506 = arith.andi %bitcast3A_501, %broadcast_in_dim3A_3 : vector<16xi32>
        %bitcast3A_507 = vector.bitcast %and3A_506 : vector<16xi32> to vector<16xf32>
        %add3A_508 = arith.addf %add3A_480, %bitcast3A_505 : vector<16xf32>
        %add3A_509 = arith.addf %add3A_481, %bitcast3A_507 : vector<16xf32>
        %add3A_510 = arith.constant 11 : i32
        %add3A_511 = arith.addi %mul3A_194, %add3A_510 : i32
        %get3A_512 = arith.index_cast %add3A_511 : i32 to index
        %get3A_513 = arith.constant 32 : index
        %get3A_514 = tpu.vector_load %arg7[%get3A_512, %get3A_513] {strides = array<i32>} : memref<384x64xbf16, #tpu.memory_space<vmem>>, vector<32xbf16>,
        %bitcast3A_515 = vector.bitcast %get3A_514 : vector<32xbf16> to vector<16xi32>
        %shift_left3A_516 = arith.constant 16 : i32
        %shift_left3A_517 = vector.broadcast %shift_left3A_516 : i32 to vector<16xi32>
        %shift_left3A_518 = arith.shli %bitcast3A_515, %shift_left3A_517 : vector<16xi32>
        %bitcast3A_519 = vector.bitcast %shift_left3A_518 : vector<16xi32> to vector<16xf32>
        %and3A_520 = arith.andi %bitcast3A_515, %broadcast_in_dim3A_3 : vector<16xi32>
        %bitcast3A_521 = vector.bitcast %and3A_520 : vector<16xi32> to vector<16xf32>
        %add3A_522 = arith.addf %add3A_494, %bitcast3A_519 : vector<16xf32>
        %add3A_523 = arith.addf %add3A_495, %bitcast3A_521 : vector<16xf32>
        %mul3A_524 = arith.constant 32 : i32
        %mul3A_525 = arith.muli %add3A_73, %mul3A_524 : i32
        %add3A_526 = arith.addi %mul3A_525, %scan3A_191 : i32
        %swap3A = arith.index_cast %add3A_526 : i32 to index
        %swap3A_527 = arith.constant 0 : index
        %swap3A_528 = tpu.vector_load %arg8[%swap3A, %swap3A_527] {strides = array<i32>} : memref<512x64xf32, #tpu.memory_space<vmem>>, vector<16xf32>,
        tpu.vector_store %arg8[%swap3A, %swap3A_527], %add3A_508 {strides = array<i32>} : memref<512x64xf32, #tpu.memory_space<vmem>>, vector<16xf32>,
        %mul3A_529 = arith.constant 32 : i32
        %mul3A_530 = arith.muli %add3A_73, %mul3A_529 : i32
        %add3A_531 = arith.addi %mul3A_530, %scan3A_191 : i32
        %swap3A_532 = arith.index_cast %add3A_531 : i32 to index
        %swap3A_533 = arith.constant 16 : index
        %swap3A_534 = tpu.vector_load %arg8[%swap3A_532, %swap3A_533] {strides = array<i32>} : memref<512x64xf32, #tpu.memory_space<vmem>>, vector<16xf32>,
        tpu.vector_store %arg8[%swap3A_532, %swap3A_533], %add3A_509 {strides = array<i32>} : memref<512x64xf32, #tpu.memory_space<vmem>>, vector<16xf32>,
        %mul3A_535 = arith.constant 32 : i32
        %mul3A_536 = arith.muli %add3A_73, %mul3A_535 : i32
        %add3A_537 = arith.addi %mul3A_536, %scan3A_191 : i32
        %swap3A_538 = arith.index_cast %add3A_537 : i32 to index
        %swap3A_539 = arith.constant 32 : index
        %swap3A_540 = tpu.vector_load %arg8[%swap3A_538, %swap3A_539] {strides = array<i32>} : memref<512x64xf32, #tpu.memory_space<vmem>>, vector<16xf32>,
        tpu.vector_store %arg8[%swap3A_538, %swap3A_539], %add3A_522 {strides = array<i32>} : memref<512x64xf32, #tpu.memory_space<vmem>>, vector<16xf32>,
        %mul3A_541 = arith.constant 32 : i32
        %mul3A_542 = arith.muli %add3A_73, %mul3A_541 : i32
        %add3A_543 = arith.addi %mul3A_542, %scan3A_191 : i32
        %swap3A_544 = arith.index_cast %add3A_543 : i32 to index
        %swap3A_545 = arith.constant 48 : index
        %swap3A_546 = tpu.vector_load %arg8[%swap3A_544, %swap3A_545] {strides = array<i32>} : memref<512x64xf32, #tpu.memory_space<vmem>>, vector<16xf32>,
        tpu.vector_store %arg8[%swap3A_544, %swap3A_545], %add3A_523 {strides = array<i32>} : memref<512x64xf32, #tpu.memory_space<vmem>>, vector<16xf32>,
        %scan3A_547 = arith.constant 0 : i32
        %scan3A_548 = arith.constant 1 : i32
        %scan3A_549 = arith.addi %scan3A_191, %scan3A_548 : i32
        %mul3A_550 = arith.constant 12 : i32
        %mul3A_551 = arith.muli %scan3A_549, %mul3A_550 : i32
        %add3A_552 = arith.constant 0 : i32
        %add3A_553 = arith.addi %mul3A_551, %add3A_552 : i32
        %get3A_554 = arith.index_cast %add3A_553 : i32 to index
        %get3A_555 = arith.constant 0 : index
        %get3A_556 = tpu.vector_load %arg7[%get3A_554, %get3A_555] {strides = array<i32>} : memref<384x64xbf16, #tpu.memory_space<vmem>>, vector<32xbf16>,
        %bitcast3A_557 = vector.bitcast %get3A_556 : vector<32xbf16> to vector<16xi32>
        %shift_left3A_558 = arith.constant 16 : i32
        %shift_left3A_559 = vector.broadcast %shift_left3A_558 : i32 to vector<16xi32>
        %shift_left3A_560 = arith.shli %bitcast3A_557, %shift_left3A_559 : vector<16xi32>
        %bitcast3A_561 = vector.bitcast %shift_left3A_560 : vector<16xi32> to vector<16xf32>
        %and3A_562 = arith.andi %bitcast3A_557, %broadcast_in_dim3A_3 : vector<16xi32>
        %bitcast3A_563 = vector.bitcast %and3A_562 : vector<16xi32> to vector<16xf32>
        %add3A_564 = arith.constant 0 : i32
        %add3A_565 = arith.addi %mul3A_551, %add3A_564 : i32
        %get3A_566 = arith.index_cast %add3A_565 : i32 to index
        %get3A_567 = arith.constant 32 : index
        %get3A_568 = tpu.vector_load %arg7[%get3A_566, %get3A_567] {strides = array<i32>} : memref<384x64xbf16, #tpu.memory_space<vmem>>, vector<32xbf16>,
        %bitcast3A_569 = vector.bitcast %get3A_568 : vector<32xbf16> to vector<16xi32>
        %shift_left3A_570 = arith.constant 16 : i32
        %shift_left3A_571 = vector.broadcast %shift_left3A_570 : i32 to vector<16xi32>
        %shift_left3A_572 = arith.shli %bitcast3A_569, %shift_left3A_571 : vector<16xi32>
        %bitcast3A_573 = vector.bitcast %shift_left3A_572 : vector<16xi32> to vector<16xf32>
        %and3A_574 = arith.andi %bitcast3A_569, %broadcast_in_dim3A_3 : vector<16xi32>
        %bitcast3A_575 = vector.bitcast %and3A_574 : vector<16xi32> to vector<16xf32>
        %add3A_576 = arith.constant 1 : i32
        %add3A_577 = arith.addi %mul3A_551, %add3A_576 : i32
        %get3A_578 = arith.index_cast %add3A_577 : i32 to index
        %get3A_579 = arith.constant 0 : index
        %get3A_580 = tpu.vector_load %arg7[%get3A_578, %get3A_579] {strides = array<i32>} : memref<384x64xbf16, #tpu.memory_space<vmem>>, vector<32xbf16>,
        %bitcast3A_581 = vector.bitcast %get3A_580 : vector<32xbf16> to vector<16xi32>
        %shift_left3A_582 = arith.constant 16 : i32
        %shift_left3A_583 = vector.broadcast %shift_left3A_582 : i32 to vector<16xi32>
        %shift_left3A_584 = arith.shli %bitcast3A_581, %shift_left3A_583 : vector<16xi32>
        %bitcast3A_585 = vector.bitcast %shift_left3A_584 : vector<16xi32> to vector<16xf32>
        %and3A_586 = arith.andi %bitcast3A_581, %broadcast_in_dim3A_3 : vector<16xi32>
        %bitcast3A_587 = vector.bitcast %and3A_586 : vector<16xi32> to vector<16xf32>
        %add3A_588 = arith.addf %bitcast3A_561, %bitcast3A_585 : vector<16xf32>
        %add3A_589 = arith.addf %bitcast3A_563, %bitcast3A_587 : vector<16xf32>
        %add3A_590 = arith.constant 1 : i32
        %add3A_591 = arith.addi %mul3A_551, %add3A_590 : i32
        %get3A_592 = arith.index_cast %add3A_591 : i32 to index
        %get3A_593 = arith.constant 32 : index
        %get3A_594 = tpu.vector_load %arg7[%get3A_592, %get3A_593] {strides = array<i32>} : memref<384x64xbf16, #tpu.memory_space<vmem>>, vector<32xbf16>,
        %bitcast3A_595 = vector.bitcast %get3A_594 : vector<32xbf16> to vector<16xi32>
        %shift_left3A_596 = arith.constant 16 : i32
        %shift_left3A_597 = vector.broadcast %shift_left3A_596 : i32 to vector<16xi32>
        %shift_left3A_598 = arith.shli %bitcast3A_595, %shift_left3A_597 : vector<16xi32>
        %bitcast3A_599 = vector.bitcast %shift_left3A_598 : vector<16xi32> to vector<16xf32>
        %and3A_600 = arith.andi %bitcast3A_595, %broadcast_in_dim3A_3 : vector<16xi32>
        %bitcast3A_601 = vector.bitcast %and3A_600 : vector<16xi32> to vector<16xf32>
        %add3A_602 = arith.addf %bitcast3A_573, %bitcast3A_599 : vector<16xf32>
        %add3A_603 = arith.addf %bitcast3A_575, %bitcast3A_601 : vector<16xf32>
        %add3A_604 = arith.constant 2 : i32
        %add3A_605 = arith.addi %mul3A_551, %add3A_604 : i32
        %get3A_606 = arith.index_cast %add3A_605 : i32 to index
        %get3A_607 = arith.constant 0 : index
        %get3A_608 = tpu.vector_load %arg7[%get3A_606, %get3A_607] {strides = array<i32>} : memref<384x64xbf16, #tpu.memory_space<vmem>>, vector<32xbf16>,
        %bitcast3A_609 = vector.bitcast %get3A_608 : vector<32xbf16> to vector<16xi32>
        %shift_left3A_610 = arith.constant 16 : i32
        %shift_left3A_611 = vector.broadcast %shift_left3A_610 : i32 to vector<16xi32>
        %shift_left3A_612 = arith.shli %bitcast3A_609, %shift_left3A_611 : vector<16xi32>
        %bitcast3A_613 = vector.bitcast %shift_left3A_612 : vector<16xi32> to vector<16xf32>
        %and3A_614 = arith.andi %bitcast3A_609, %broadcast_in_dim3A_3 : vector<16xi32>
        %bitcast3A_615 = vector.bitcast %and3A_614 : vector<16xi32> to vector<16xf32>
        %add3A_616 = arith.addf %add3A_588, %bitcast3A_613 : vector<16xf32>
        %add3A_617 = arith.addf %add3A_589, %bitcast3A_615 : vector<16xf32>
        %add3A_618 = arith.constant 2 : i32
        %add3A_619 = arith.addi %mul3A_551, %add3A_618 : i32
        %get3A_620 = arith.index_cast %add3A_619 : i32 to index
        %get3A_621 = arith.constant 32 : index
        %get3A_622 = tpu.vector_load %arg7[%get3A_620, %get3A_621] {strides = array<i32>} : memref<384x64xbf16, #tpu.memory_space<vmem>>, vector<32xbf16>,
        %bitcast3A_623 = vector.bitcast %get3A_622 : vector<32xbf16> to vector<16xi32>
        %shift_left3A_624 = arith.constant 16 : i32
        %shift_left3A_625 = vector.broadcast %shift_left3A_624 : i32 to vector<16xi32>
        %shift_left3A_626 = arith.shli %bitcast3A_623, %shift_left3A_625 : vector<16xi32>
        %bitcast3A_627 = vector.bitcast %shift_left3A_626 : vector<16xi32> to vector<16xf32>
        %and3A_628 = arith.andi %bitcast3A_623, %broadcast_in_dim3A_3 : vector<16xi32>
        %bitcast3A_629 = vector.bitcast %and3A_628 : vector<16xi32> to vector<16xf32>
        %add3A_630 = arith.addf %add3A_602, %bitcast3A_627 : vector<16xf32>
        %add3A_631 = arith.addf %add3A_603, %bitcast3A_629 : vector<16xf32>
        %add3A_632 = arith.constant 3 : i32
        %add3A_633 = arith.addi %mul3A_551, %add3A_632 : i32
        %get3A_634 = arith.index_cast %add3A_633 : i32 to index
        %get3A_635 = arith.constant 0 : index
        %get3A_636 = tpu.vector_load %arg7[%get3A_634, %get3A_635] {strides = array<i32>} : memref<384x64xbf16, #tpu.memory_space<vmem>>, vector<32xbf16>,
        %bitcast3A_637 = vector.bitcast %get3A_636 : vector<32xbf16> to vector<16xi32>
        %shift_left3A_638 = arith.constant 16 : i32
        %shift_left3A_639 = vector.broadcast %shift_left3A_638 : i32 to vector<16xi32>
        %shift_left3A_640 = arith.shli %bitcast3A_637, %shift_left3A_639 : vector<16xi32>
        %bitcast3A_641 = vector.bitcast %shift_left3A_640 : vector<16xi32> to vector<16xf32>
        %and3A_642 = arith.andi %bitcast3A_637, %broadcast_in_dim3A_3 : vector<16xi32>
        %bitcast3A_643 = vector.bitcast %and3A_642 : vector<16xi32> to vector<16xf32>
        %add3A_644 = arith.addf %add3A_616, %bitcast3A_641 : vector<16xf32>
        %add3A_645 = arith.addf %add3A_617, %bitcast3A_643 : vector<16xf32>
        %add3A_646 = arith.constant 3 : i32
        %add3A_647 = arith.addi %mul3A_551, %add3A_646 : i32
        %get3A_648 = arith.index_cast %add3A_647 : i32 to index
        %get3A_649 = arith.constant 32 : index
        %get3A_650 = tpu.vector_load %arg7[%get3A_648, %get3A_649] {strides = array<i32>} : memref<384x64xbf16, #tpu.memory_space<vmem>>, vector<32xbf16>,
        %bitcast3A_651 = vector.bitcast %get3A_650 : vector<32xbf16> to vector<16xi32>
        %shift_left3A_652 = arith.constant 16 : i32
        %shift_left3A_653 = vector.broadcast %shift_left3A_652 : i32 to vector<16xi32>
        %shift_left3A_654 = arith.shli %bitcast3A_651, %shift_left3A_653 : vector<16xi32>
        %bitcast3A_655 = vector.bitcast %shift_left3A_654 : vector<16xi32> to vector<16xf32>
        %and3A_656 = arith.andi %bitcast3A_651, %broadcast_in_dim3A_3 : vector<16xi32>
        %bitcast3A_657 = vector.bitcast %and3A_656 : vector<16xi32> to vector<16xf32>
        %add3A_658 = arith.addf %add3A_630, %bitcast3A_655 : vector<16xf32>
        %add3A_659 = arith.addf %add3A_631, %bitcast3A_657 : vector<16xf32>
        %add3A_660 = arith.constant 4 : i32
        %add3A_661 = arith.addi %mul3A_551, %add3A_660 : i32
        %get3A_662 = arith.index_cast %add3A_661 : i32 to index
        %get3A_663 = arith.constant 0 : index
        %get3A_664 = tpu.vector_load %arg7[%get3A_662, %get3A_663] {strides = array<i32>} : memref<384x64xbf16, #tpu.memory_space<vmem>>, vector<32xbf16>,
        %bitcast3A_665 = vector.bitcast %get3A_664 : vector<32xbf16> to vector<16xi32>
        %shift_left3A_666 = arith.constant 16 : i32
        %shift_left3A_667 = vector.broadcast %shift_left3A_666 : i32 to vector<16xi32>
        %shift_left3A_668 = arith.shli %bitcast3A_665, %shift_left3A_667 : vector<16xi32>
        %bitcast3A_669 = vector.bitcast %shift_left3A_668 : vector<16xi32> to vector<16xf32>
        %and3A_670 = arith.andi %bitcast3A_665, %broadcast_in_dim3A_3 : vector<16xi32>
        %bitcast3A_671 = vector.bitcast %and3A_670 : vector<16xi32> to vector<16xf32>
        %add3A_672 = arith.addf %add3A_644, %bitcast3A_669 : vector<16xf32>
        %add3A_673 = arith.addf %add3A_645, %bitcast3A_671 : vector<16xf32>
        %add3A_674 = arith.constant 4 : i32
        %add3A_675 = arith.addi %mul3A_551, %add3A_674 : i32
        %get3A_676 = arith.index_cast %add3A_675 : i32 to index
        %get3A_677 = arith.constant 32 : index
        %get3A_678 = tpu.vector_load %arg7[%get3A_676, %get3A_677] {strides = array<i32>} : memref<384x64xbf16, #tpu.memory_space<vmem>>, vector<32xbf16>,
        %bitcast3A_679 = vector.bitcast %get3A_678 : vector<32xbf16> to vector<16xi32>
        %shift_left3A_680 = arith.constant 16 : i32
        %shift_left3A_681 = vector.broadcast %shift_left3A_680 : i32 to vector<16xi32>
        %shift_left3A_682 = arith.shli %bitcast3A_679, %shift_left3A_681 : vector<16xi32>
        %bitcast3A_683 = vector.bitcast %shift_left3A_682 : vector<16xi32> to vector<16xf32>
        %and3A_684 = arith.andi %bitcast3A_679, %broadcast_in_dim3A_3 : vector<16xi32>
        %bitcast3A_685 = vector.bitcast %and3A_684 : vector<16xi32> to vector<16xf32>
        %add3A_686 = arith.addf %add3A_658, %bitcast3A_683 : vector<16xf32>
        %add3A_687 = arith.addf %add3A_659, %bitcast3A_685 : vector<16xf32>
        %add3A_688 = arith.constant 5 : i32
        %add3A_689 = arith.addi %mul3A_551, %add3A_688 : i32
        %get3A_690 = arith.index_cast %add3A_689 : i32 to index
        %get3A_691 = arith.constant 0 : index
        %get3A_692 = tpu.vector_load %arg7[%get3A_690, %get3A_691] {strides = array<i32>} : memref<384x64xbf16, #tpu.memory_space<vmem>>, vector<32xbf16>,
        %bitcast3A_693 = vector.bitcast %get3A_692 : vector<32xbf16> to vector<16xi32>
        %shift_left3A_694 = arith.constant 16 : i32
        %shift_left3A_695 = vector.broadcast %shift_left3A_694 : i32 to vector<16xi32>
        %shift_left3A_696 = arith.shli %bitcast3A_693, %shift_left3A_695 : vector<16xi32>
        %bitcast3A_697 = vector.bitcast %shift_left3A_696 : vector<16xi32> to vector<16xf32>
        %and3A_698 = arith.andi %bitcast3A_693, %broadcast_in_dim3A_3 : vector<16xi32>
        %bitcast3A_699 = vector.bitcast %and3A_698 : vector<16xi32> to vector<16xf32>
        %add3A_700 = arith.addf %add3A_672, %bitcast3A_697 : vector<16xf32>
        %add3A_701 = arith.addf %add3A_673, %bitcast3A_699 : vector<16xf32>
        %add3A_702 = arith.constant 5 : i32
        %add3A_703 = arith.addi %mul3A_551, %add3A_702 : i32
        %get3A_704 = arith.index_cast %add3A_703 : i32 to index
        %get3A_705 = arith.constant 32 : index
        %get3A_706 = tpu.vector_load %arg7[%get3A_704, %get3A_705] {strides = array<i32>} : memref<384x64xbf16, #tpu.memory_space<vmem>>, vector<32xbf16>,
        %bitcast3A_707 = vector.bitcast %get3A_706 : vector<32xbf16> to vector<16xi32>
        %shift_left3A_708 = arith.constant 16 : i32
        %shift_left3A_709 = vector.broadcast %shift_left3A_708 : i32 to vector<16xi32>
        %shift_left3A_710 = arith.shli %bitcast3A_707, %shift_left3A_709 : vector<16xi32>
        %bitcast3A_711 = vector.bitcast %shift_left3A_710 : vector<16xi32> to vector<16xf32>
        %and3A_712 = arith.andi %bitcast3A_707, %broadcast_in_dim3A_3 : vector<16xi32>
        %bitcast3A_713 = vector.bitcast %and3A_712 : vector<16xi32> to vector<16xf32>
        %add3A_714 = arith.addf %add3A_686, %bitcast3A_711 : vector<16xf32>
        %add3A_715 = arith.addf %add3A_687, %bitcast3A_713 : vector<16xf32>
        %add3A_716 = arith.constant 6 : i32
        %add3A_717 = arith.addi %mul3A_551, %add3A_716 : i32
        %get3A_718 = arith.index_cast %add3A_717 : i32 to index
        %get3A_719 = arith.constant 0 : index
        %get3A_720 = tpu.vector_load %arg7[%get3A_718, %get3A_719] {strides = array<i32>} : memref<384x64xbf16, #tpu.memory_space<vmem>>, vector<32xbf16>,
        %bitcast3A_721 = vector.bitcast %get3A_720 : vector<32xbf16> to vector<16xi32>
        %shift_left3A_722 = arith.constant 16 : i32
        %shift_left3A_723 = vector.broadcast %shift_left3A_722 : i32 to vector<16xi32>
        %shift_left3A_724 = arith.shli %bitcast3A_721, %shift_left3A_723 : vector<16xi32>
        %bitcast3A_725 = vector.bitcast %shift_left3A_724 : vector<16xi32> to vector<16xf32>
        %and3A_726 = arith.andi %bitcast3A_721, %broadcast_in_dim3A_3 : vector<16xi32>
        %bitcast3A_727 = vector.bitcast %and3A_726 : vector<16xi32> to vector<16xf32>
        %add3A_728 = arith.addf %add3A_700, %bitcast3A_725 : vector<16xf32>
        %add3A_729 = arith.addf %add3A_701, %bitcast3A_727 : vector<16xf32>
        %add3A_730 = arith.constant 6 : i32
        %add3A_731 = arith.addi %mul3A_551, %add3A_730 : i32
        %get3A_732 = arith.index_cast %add3A_731 : i32 to index
        %get3A_733 = arith.constant 32 : index
        %get3A_734 = tpu.vector_load %arg7[%get3A_732, %get3A_733] {strides = array<i32>} : memref<384x64xbf16, #tpu.memory_space<vmem>>, vector<32xbf16>,
        %bitcast3A_735 = vector.bitcast %get3A_734 : vector<32xbf16> to vector<16xi32>
        %shift_left3A_736 = arith.constant 16 : i32
        %shift_left3A_737 = vector.broadcast %shift_left3A_736 : i32 to vector<16xi32>
        %shift_left3A_738 = arith.shli %bitcast3A_735, %shift_left3A_737 : vector<16xi32>
        %bitcast3A_739 = vector.bitcast %shift_left3A_738 : vector<16xi32> to vector<16xf32>
        %and3A_740 = arith.andi %bitcast3A_735, %broadcast_in_dim3A_3 : vector<16xi32>
        %bitcast3A_741 = vector.bitcast %and3A_740 : vector<16xi32> to vector<16xf32>
        %add3A_742 = arith.addf %add3A_714, %bitcast3A_739 : vector<16xf32>
        %add3A_743 = arith.addf %add3A_715, %bitcast3A_741 : vector<16xf32>
        %add3A_744 = arith.constant 7 : i32
        %add3A_745 = arith.addi %mul3A_551, %add3A_744 : i32
        %get3A_746 = arith.index_cast %add3A_745 : i32 to index
        %get3A_747 = arith.constant 0 : index
        %get3A_748 = tpu.vector_load %arg7[%get3A_746, %get3A_747] {strides = array<i32>} : memref<384x64xbf16, #tpu.memory_space<vmem>>, vector<32xbf16>,
        %bitcast3A_749 = vector.bitcast %get3A_748 : vector<32xbf16> to vector<16xi32>
        %shift_left3A_750 = arith.constant 16 : i32
        %shift_left3A_751 = vector.broadcast %shift_left3A_750 : i32 to vector<16xi32>
        %shift_left3A_752 = arith.shli %bitcast3A_749, %shift_left3A_751 : vector<16xi32>
        %bitcast3A_753 = vector.bitcast %shift_left3A_752 : vector<16xi32> to vector<16xf32>
        %and3A_754 = arith.andi %bitcast3A_749, %broadcast_in_dim3A_3 : vector<16xi32>
        %bitcast3A_755 = vector.bitcast %and3A_754 : vector<16xi32> to vector<16xf32>
        %add3A_756 = arith.addf %add3A_728, %bitcast3A_753 : vector<16xf32>
        %add3A_757 = arith.addf %add3A_729, %bitcast3A_755 : vector<16xf32>
        %add3A_758 = arith.constant 7 : i32
        %add3A_759 = arith.addi %mul3A_551, %add3A_758 : i32
        %get3A_760 = arith.index_cast %add3A_759 : i32 to index
        %get3A_761 = arith.constant 32 : index
        %get3A_762 = tpu.vector_load %arg7[%get3A_760, %get3A_761] {strides = array<i32>} : memref<384x64xbf16, #tpu.memory_space<vmem>>, vector<32xbf16>,
        %bitcast3A_763 = vector.bitcast %get3A_762 : vector<32xbf16> to vector<16xi32>
        %shift_left3A_764 = arith.constant 16 : i32
        %shift_left3A_765 = vector.broadcast %shift_left3A_764 : i32 to vector<16xi32>
        %shift_left3A_766 = arith.shli %bitcast3A_763, %shift_left3A_765 : vector<16xi32>
        %bitcast3A_767 = vector.bitcast %shift_left3A_766 : vector<16xi32> to vector<16xf32>
        %and3A_768 = arith.andi %bitcast3A_763, %broadcast_in_dim3A_3 : vector<16xi32>
        %bitcast3A_769 = vector.bitcast %and3A_768 : vector<16xi32> to vector<16xf32>
        %add3A_770 = arith.addf %add3A_742, %bitcast3A_767 : vector<16xf32>
        %add3A_771 = arith.addf %add3A_743, %bitcast3A_769 : vector<16xf32>
        %add3A_772 = arith.constant 8 : i32
        %add3A_773 = arith.addi %mul3A_551, %add3A_772 : i32
        %get3A_774 = arith.index_cast %add3A_773 : i32 to index
        %get3A_775 = arith.constant 0 : index
        %get3A_776 = tpu.vector_load %arg7[%get3A_774, %get3A_775] {strides = array<i32>} : memref<384x64xbf16, #tpu.memory_space<vmem>>, vector<32xbf16>,
        %bitcast3A_777 = vector.bitcast %get3A_776 : vector<32xbf16> to vector<16xi32>
        %shift_left3A_778 = arith.constant 16 : i32
        %shift_left3A_779 = vector.broadcast %shift_left3A_778 : i32 to vector<16xi32>
        %shift_left3A_780 = arith.shli %bitcast3A_777, %shift_left3A_779 : vector<16xi32>
        %bitcast3A_781 = vector.bitcast %shift_left3A_780 : vector<16xi32> to vector<16xf32>
        %and3A_782 = arith.andi %bitcast3A_777, %broadcast_in_dim3A_3 : vector<16xi32>
        %bitcast3A_783 = vector.bitcast %and3A_782 : vector<16xi32> to vector<16xf32>
        %add3A_784 = arith.addf %add3A_756, %bitcast3A_781 : vector<16xf32>
        %add3A_785 = arith.addf %add3A_757, %bitcast3A_783 : vector<16xf32>
        %add3A_786 = arith.constant 8 : i32
        %add3A_787 = arith.addi %mul3A_551, %add3A_786 : i32
        %get3A_788 = arith.index_cast %add3A_787 : i32 to index
        %get3A_789 = arith.constant 32 : index
        %get3A_790 = tpu.vector_load %arg7[%get3A_788, %get3A_789] {strides = array<i32>} : memref<384x64xbf16, #tpu.memory_space<vmem>>, vector<32xbf16>,
        %bitcast3A_791 = vector.bitcast %get3A_790 : vector<32xbf16> to vector<16xi32>
        %shift_left3A_792 = arith.constant 16 : i32
        %shift_left3A_793 = vector.broadcast %shift_left3A_792 : i32 to vector<16xi32>
        %shift_left3A_794 = arith.shli %bitcast3A_791, %shift_left3A_793 : vector<16xi32>
        %bitcast3A_795 = vector.bitcast %shift_left3A_794 : vector<16xi32> to vector<16xf32>
        %and3A_796 = arith.andi %bitcast3A_791, %broadcast_in_dim3A_3 : vector<16xi32>
        %bitcast3A_797 = vector.bitcast %and3A_796 : vector<16xi32> to vector<16xf32>
        %add3A_798 = arith.addf %add3A_770, %bitcast3A_795 : vector<16xf32>
        %add3A_799 = arith.addf %add3A_771, %bitcast3A_797 : vector<16xf32>
        %add3A_800 = arith.constant 9 : i32
        %add3A_801 = arith.addi %mul3A_551, %add3A_800 : i32
        %get3A_802 = arith.index_cast %add3A_801 : i32 to index
        %get3A_803 = arith.constant 0 : index
        %get3A_804 = tpu.vector_load %arg7[%get3A_802, %get3A_803] {strides = array<i32>} : memref<384x64xbf16, #tpu.memory_space<vmem>>, vector<32xbf16>,
        %bitcast3A_805 = vector.bitcast %get3A_804 : vector<32xbf16> to vector<16xi32>
        %shift_left3A_806 = arith.constant 16 : i32
        %shift_left3A_807 = vector.broadcast %shift_left3A_806 : i32 to vector<16xi32>
        %shift_left3A_808 = arith.shli %bitcast3A_805, %shift_left3A_807 : vector<16xi32>
        %bitcast3A_809 = vector.bitcast %shift_left3A_808 : vector<16xi32> to vector<16xf32>
        %and3A_810 = arith.andi %bitcast3A_805, %broadcast_in_dim3A_3 : vector<16xi32>
        %bitcast3A_811 = vector.bitcast %and3A_810 : vector<16xi32> to vector<16xf32>
        %add3A_812 = arith.addf %add3A_784, %bitcast3A_809 : vector<16xf32>
        %add3A_813 = arith.addf %add3A_785, %bitcast3A_811 : vector<16xf32>
        %add3A_814 = arith.constant 9 : i32
        %add3A_815 = arith.addi %mul3A_551, %add3A_814 : i32
        %get3A_816 = arith.index_cast %add3A_815 : i32 to index
        %get3A_817 = arith.constant 32 : index
        %get3A_818 = tpu.vector_load %arg7[%get3A_816, %get3A_817] {strides = array<i32>} : memref<384x64xbf16, #tpu.memory_space<vmem>>, vector<32xbf16>,
        %bitcast3A_819 = vector.bitcast %get3A_818 : vector<32xbf16> to vector<16xi32>
        %shift_left3A_820 = arith.constant 16 : i32
        %shift_left3A_821 = vector.broadcast %shift_left3A_820 : i32 to vector<16xi32>
        %shift_left3A_822 = arith.shli %bitcast3A_819, %shift_left3A_821 : vector<16xi32>
        %bitcast3A_823 = vector.bitcast %shift_left3A_822 : vector<16xi32> to vector<16xf32>
        %and3A_824 = arith.andi %bitcast3A_819, %broadcast_in_dim3A_3 : vector<16xi32>
        %bitcast3A_825 = vector.bitcast %and3A_824 : vector<16xi32> to vector<16xf32>
        %add3A_826 = arith.addf %add3A_798, %bitcast3A_823 : vector<16xf32>
        %add3A_827 = arith.addf %add3A_799, %bitcast3A_825 : vector<16xf32>
        %add3A_828 = arith.constant 10 : i32
        %add3A_829 = arith.addi %mul3A_551, %add3A_828 : i32
        %get3A_830 = arith.index_cast %add3A_829 : i32 to index
        %get3A_831 = arith.constant 0 : index
        %get3A_832 = tpu.vector_load %arg7[%get3A_830, %get3A_831] {strides = array<i32>} : memref<384x64xbf16, #tpu.memory_space<vmem>>, vector<32xbf16>,
        %bitcast3A_833 = vector.bitcast %get3A_832 : vector<32xbf16> to vector<16xi32>
        %shift_left3A_834 = arith.constant 16 : i32
        %shift_left3A_835 = vector.broadcast %shift_left3A_834 : i32 to vector<16xi32>
        %shift_left3A_836 = arith.shli %bitcast3A_833, %shift_left3A_835 : vector<16xi32>
        %bitcast3A_837 = vector.bitcast %shift_left3A_836 : vector<16xi32> to vector<16xf32>
        %and3A_838 = arith.andi %bitcast3A_833, %broadcast_in_dim3A_3 : vector<16xi32>
        %bitcast3A_839 = vector.bitcast %and3A_838 : vector<16xi32> to vector<16xf32>
        %add3A_840 = arith.addf %add3A_812, %bitcast3A_837 : vector<16xf32>
        %add3A_841 = arith.addf %add3A_813, %bitcast3A_839 : vector<16xf32>
        %add3A_842 = arith.constant 10 : i32
        %add3A_843 = arith.addi %mul3A_551, %add3A_842 : i32
        %get3A_844 = arith.index_cast %add3A_843 : i32 to index
        %get3A_845 = arith.constant 32 : index
        %get3A_846 = tpu.vector_load %arg7[%get3A_844, %get3A_845] {strides = array<i32>} : memref<384x64xbf16, #tpu.memory_space<vmem>>, vector<32xbf16>,
        %bitcast3A_847 = vector.bitcast %get3A_846 : vector<32xbf16> to vector<16xi32>
        %shift_left3A_848 = arith.constant 16 : i32
        %shift_left3A_849 = vector.broadcast %shift_left3A_848 : i32 to vector<16xi32>
        %shift_left3A_850 = arith.shli %bitcast3A_847, %shift_left3A_849 : vector<16xi32>
        %bitcast3A_851 = vector.bitcast %shift_left3A_850 : vector<16xi32> to vector<16xf32>
        %and3A_852 = arith.andi %bitcast3A_847, %broadcast_in_dim3A_3 : vector<16xi32>
        %bitcast3A_853 = vector.bitcast %and3A_852 : vector<16xi32> to vector<16xf32>
        %add3A_854 = arith.addf %add3A_826, %bitcast3A_851 : vector<16xf32>
        %add3A_855 = arith.addf %add3A_827, %bitcast3A_853 : vector<16xf32>
        %add3A_856 = arith.constant 11 : i32
        %add3A_857 = arith.addi %mul3A_551, %add3A_856 : i32
        %get3A_858 = arith.index_cast %add3A_857 : i32 to index
        %get3A_859 = arith.constant 0 : index
        %get3A_860 = tpu.vector_load %arg7[%get3A_858, %get3A_859] {strides = array<i32>} : memref<384x64xbf16, #tpu.memory_space<vmem>>, vector<32xbf16>,
        %bitcast3A_861 = vector.bitcast %get3A_860 : vector<32xbf16> to vector<16xi32>
        %shift_left3A_862 = arith.constant 16 : i32
        %shift_left3A_863 = vector.broadcast %shift_left3A_862 : i32 to vector<16xi32>
        %shift_left3A_864 = arith.shli %bitcast3A_861, %shift_left3A_863 : vector<16xi32>
        %bitcast3A_865 = vector.bitcast %shift_left3A_864 : vector<16xi32> to vector<16xf32>
        %and3A_866 = arith.andi %bitcast3A_861, %broadcast_in_dim3A_3 : vector<16xi32>
        %bitcast3A_867 = vector.bitcast %and3A_866 : vector<16xi32> to vector<16xf32>
        %add3A_868 = arith.addf %add3A_840, %bitcast3A_865 : vector<16xf32>
        %add3A_869 = arith.addf %add3A_841, %bitcast3A_867 : vector<16xf32>
        %add3A_870 = arith.constant 11 : i32
        %add3A_871 = arith.addi %mul3A_551, %add3A_870 : i32
        %get3A_872 = arith.index_cast %add3A_871 : i32 to index
        %get3A_873 = arith.constant 32 : index
        %get3A_874 = tpu.vector_load %arg7[%get3A_872, %get3A_873] {strides = array<i32>} : memref<384x64xbf16, #tpu.memory_space<vmem>>, vector<32xbf16>,
        %bitcast3A_875 = vector.bitcast %get3A_874 : vector<32xbf16> to vector<16xi32>
        %shift_left3A_876 = arith.constant 16 : i32
        %shift_left3A_877 = vector.broadcast %shift_left3A_876 : i32 to vector<16xi32>
        %shift_left3A_878 = arith.shli %bitcast3A_875, %shift_left3A_877 : vector<16xi32>
        %bitcast3A_879 = vector.bitcast %shift_left3A_878 : vector<16xi32> to vector<16xf32>
        %and3A_880 = arith.andi %bitcast3A_875, %broadcast_in_dim3A_3 : vector<16xi32>
        %bitcast3A_881 = vector.bitcast %and3A_880 : vector<16xi32> to vector<16xf32>
        %add3A_882 = arith.addf %add3A_854, %bitcast3A_879 : vector<16xf32>
        %add3A_883 = arith.addf %add3A_855, %bitcast3A_881 : vector<16xf32>
        %mul3A_884 = arith.constant 32 : i32
        %mul3A_885 = arith.muli %add3A_73, %mul3A_884 : i32
        %add3A_886 = arith.addi %mul3A_885, %scan3A_549 : i32
        %swap3A_887 = arith.index_cast %add3A_886 : i32 to index
        %swap3A_888 = arith.constant 0 : index
        %swap3A_889 = tpu.vector_load %arg8[%swap3A_887, %swap3A_888] {strides = array<i32>} : memref<512x64xf32, #tpu.memory_space<vmem>>, vector<16xf32>,
        tpu.vector_store %arg8[%swap3A_887, %swap3A_888], %add3A_868 {strides = array<i32>} : memref<512x64xf32, #tpu.memory_space<vmem>>, vector<16xf32>,
        %mul3A_890 = arith.constant 32 : i32
        %mul3A_891 = arith.muli %add3A_73, %mul3A_890 : i32
        %add3A_892 = arith.addi %mul3A_891, %scan3A_549 : i32
        %swap3A_893 = arith.index_cast %add3A_892 : i32 to index
        %swap3A_894 = arith.constant 16 : index
        %swap3A_895 = tpu.vector_load %arg8[%swap3A_893, %swap3A_894] {strides = array<i32>} : memref<512x64xf32, #tpu.memory_space<vmem>>, vector<16xf32>,
        tpu.vector_store %arg8[%swap3A_893, %swap3A_894], %add3A_869 {strides = array<i32>} : memref<512x64xf32, #tpu.memory_space<vmem>>, vector<16xf32>,
        %mul3A_896 = arith.constant 32 : i32
        %mul3A_897 = arith.muli %add3A_73, %mul3A_896 : i32
        %add3A_898 = arith.addi %mul3A_897, %scan3A_549 : i32
        %swap3A_899 = arith.index_cast %add3A_898 : i32 to index
        %swap3A_900 = arith.constant 32 : index
        %swap3A_901 = tpu.vector_load %arg8[%swap3A_899, %swap3A_900] {strides = array<i32>} : memref<512x64xf32, #tpu.memory_space<vmem>>, vector<16xf32>,
        tpu.vector_store %arg8[%swap3A_899, %swap3A_900], %add3A_882 {strides = array<i32>} : memref<512x64xf32, #tpu.memory_space<vmem>>, vector<16xf32>,
        %mul3A_902 = arith.constant 32 : i32
        %mul3A_903 = arith.muli %add3A_73, %mul3A_902 : i32
        %add3A_904 = arith.addi %mul3A_903, %scan3A_549 : i32
        %swap3A_905 = arith.index_cast %add3A_904 : i32 to index
        %swap3A_906 = arith.constant 48 : index
        %swap3A_907 = tpu.vector_load %arg8[%swap3A_905, %swap3A_906] {strides = array<i32>} : memref<512x64xf32, #tpu.memory_space<vmem>>, vector<16xf32>,
        tpu.vector_store %arg8[%swap3A_905, %swap3A_906], %add3A_883 {strides = array<i32>} : memref<512x64xf32, #tpu.memory_space<vmem>>, vector<16xf32>,
        %scan3A_908 = arith.constant 0 : i32
        scf.yield %scan3A_908 : i32
      }
      %scan3A_190 = arith.constant 32 : i32
    }
    %scan3A_30 = arith.constant 8 : i32
    %jit3A = arith.constant 16 : i32
    %div3A = arith.divsi %add3A, %jit3A : i32
    %sign3A = arith.constant 0 : i32
    %sign3A_31 = arith.cmpi sgt, %add3A, %sign3A : i32
    %sign3A_32 = arith.extui %sign3A_31 : i1 to i32
    %sign3A_33 = arith.constant 0 : i32
    %sign3A_34 = arith.cmpi slt, %add3A, %sign3A_33 : i32
    %sign3A_35 = arith.extui %sign3A_34 : i1 to i32
    %sign3A_36 = arith.subi %sign3A_32, %sign3A_35 : i32
    %sign3A_37 = arith.constant 0 : i32
    %sign3A_38 = arith.cmpi sgt, %jit3A, %sign3A_37 : i32
    %sign3A_39 = arith.extui %sign3A_38 : i1 to i32
    %sign3A_40 = arith.constant 0 : i32
    %sign3A_41 = arith.cmpi slt, %jit3A, %sign3A_40 : i32
    %sign3A_42 = arith.extui %sign3A_41 : i1 to i32
    %sign3A_43 = arith.subi %sign3A_39, %sign3A_42 : i32
    %ne3A = arith.cmpi ne, %sign3A_36, %sign3A_43 : i32
    %rem3A = arith.remsi %add3A, %jit3A : i32
    %ne3A_44 = arith.constant 0 : i32
    %ne3A_45 = arith.cmpi ne, %rem3A, %ne3A_44 : i32
    %and3A = arith.andi %ne3A, %ne3A_45 : i1
    %sub3A = arith.constant 1 : i32
    %sub3A_46 = arith.subi %div3A, %sub3A : i32
    %select_n3A = arith.select %and3A, %sub3A_46, %div3A : i32
    %jit3A_47 = arith.constant 16 : i32
    %eq3A = arith.constant 0 : i32
    %eq3A_48 = arith.cmpi eq, %jit3A_47, %eq3A : i32
    %jit3A_49 = arith.constant 1 : i32
    %select_n3A_50 = arith.select %eq3A_48, %jit3A_49, %jit3A_47 : i32
    %rem3A_51 = arith.remsi %add3A, %select_n3A_50 : i32
    %ne3A_52 = arith.constant 0 : i32
    %ne3A_53 = arith.cmpi ne, %rem3A_51, %ne3A_52 : i32
    %lt3A = arith.constant 0 : i32
    %lt3A_54 = arith.cmpi slt, %rem3A_51, %lt3A : i32
    %lt3A_55 = arith.constant 0 : i32
    %lt3A_56 = arith.cmpi slt, %select_n3A_50, %lt3A_55 : i32
    %ne3A_57 = arith.xori %lt3A_54, %lt3A_56 : i1
    %and3A_58 = arith.andi %ne3A_57, %ne3A_53 : i1
    %add3A_59 = arith.addi %rem3A_51, %select_n3A_50 : i32
    %select_n3A_60 = arith.select %and3A_58, %add3A_59, %rem3A_51 : i32
    %mul3A_61 = arith.constant 512 : i32
    %mul3A_62 = arith.muli %select_n3A_60, %mul3A_61 : i32
    %mul3A_63 = arith.constant 64 : i32
    %mul3A_64 = arith.muli %select_n3A, %mul3A_63 : i32
    "tpu.region"() ({
      %run_scoped3A = tpu.sem_alloc : memref<!tpu.dma_semaphore, #tpu.memory_space<semaphore_mem>>
      %dma_start3A_65 = tpu.memref_slice %arg4[%mul3A_62, %mul3A_64] : memref<8192x128xf32, #tpu.memory_space<hbm>> -> memref<512x64xf32, #tpu.memory_space<hbm>>
      %dma_start3A_66 = tpu.memref_slice %arg4[%mul3A_62, %mul3A_64] : memref<8192x128xf32, #tpu.memory_space<hbm>> -> memref<512x64xf32, #tpu.memory_space<hbm>>
      tpu.enqueue_dma source(%arg8 : memref<512x64xf32, #tpu.memory_space<vmem>>) target(%dma_start3A_66 : memref<512x64xf32, #tpu.memory_space<hbm>>) target_semaphore(%run_scoped3A : memref<!tpu.dma_semaphore, #tpu.memory_space<semaphore_mem>>)
      %dma_wait3A = tpu.memref_slice %arg4[%mul3A_62, %mul3A_64] : memref<8192x128xf32, #tpu.memory_space<hbm>> -> memref<512x64xf32, #tpu.memory_space<hbm>>
      %dma_wait3A_67 = tpu.memref_slice %arg4[%mul3A_62, %mul3A_64] : memref<8192x128xf32, #tpu.memory_space<hbm>> -> memref<512x64xf32, #tpu.memory_space<hbm>>
      tpu.wait_dma2 semaphore(%run_scoped3A : memref<!tpu.dma_semaphore, #tpu.memory_space<semaphore_mem>>) src(%arg8 : memref<512x64xf32, #tpu.memory_space<vmem>>) dst(%dma_wait3A_67 : memref<512x64xf32, #tpu.memory_space<hbm>>)
      tpu.yield
    }) : () -> ()
    return
  }
}

module attributes {stable_mosaic.version = 14 : i64} {
  func.func @_table_body(%arg0: memref<10000x64xf32, #tpu.memory_space<vmem>>, %arg1: memref<64x64xf32, #tpu.memory_space<vmem>>, %arg2: memref<10000x64xbf16, #tpu.memory_space<vmem>>) attributes {dimension_semantics = [], scalar_prefetch = 0 : i64, scratch_operands = 0 : i64, tpu.core_type = #tpu.core_type<tc>} {
    %get3A = arith.constant 0 : index
    %get3A_0 = arith.constant 0 : index
    %get3A_1 = vector.load %arg0[%get3A, %get3A_0] : memref<10000x64xf32, #tpu.memory_space<vmem>>, vector<10000x64xf32>
    %get3A_2 = arith.constant 0 : index
    %get3A_3 = arith.constant 0 : index
    %get3A_4 = vector.load %arg1[%get3A_2, %get3A_3] : memref<64x64xf32, #tpu.memory_space<vmem>>, vector<64x64xf32>
    %dot_general3A = arith.constant dense<0.000000e+00> : vector<10000x64xf32>
    %dot_general3A_5 = tpu.matmul %get3A_1, %get3A_4, %dot_general3A {dimension_numbers = #tpu.dot_dimension_numbers<[1], [1], [0], [0], [0, 0, 1, 0], [], []>, transpose_lhs_hint = false} : vector<10000x64xf32>, vector<64x64xf32>, vector<10000x64xf32> -> vector<10000x64xf32>
    %mul3A = arith.constant 0.0833333358 : f32
    %mul3A_6 = vector.broadcast %mul3A : f32 to vector<10000x64xf32>
    %mul3A_7 = arith.mulf %dot_general3A_5, %mul3A_6 : vector<10000x64xf32>
    %convert_element_type3A = arith.truncf %mul3A_7 : vector<10000x64xf32> to vector<10000x64xbf16>
    %swap3A = arith.constant 0 : index
    %swap3A_8 = arith.constant 0 : index
    %swap3A_9 = vector.load %arg2[%swap3A, %swap3A_8] : memref<10000x64xbf16, #tpu.memory_space<vmem>>, vector<10000x64xbf16>
    tpu.vector_store %arg2[%swap3A, %swap3A_8], %convert_element_type3A {strides = array<i32>} : memref<10000x64xbf16, #tpu.memory_space<vmem>>, vector<10000x64xbf16>,
    return
  }
}

module attributes {stable_mosaic.version = 14 : i64} {
  func.func @_epi_body(%arg0: i32, %arg1: memref<1024x128xf32, #tpu.memory_space<vmem>>, %arg2: memref<1x64xf32, #tpu.memory_space<vmem>>, %arg3: memref<1024x64xf32, #tpu.memory_space<vmem>>) attributes {dimension_semantics = [#tpu.dimension_semantics<arbitrary>], iteration_bounds = array<i64: 16>, scalar_prefetch = 0 : i64, scratch_operands = 0 : i64, tpu.core_type = #tpu.core_type<tc>, window_params = [{transform_indices = @transform_0, window_bounds = array<i64: 1024, 128>}, {pipeline_mode = #tpu.pipeline_mode<synchronous>, transform_indices = @transform_1, window_bounds = array<i64: 1, 64>}, {transform_indices = @transform_2, window_bounds = array<i64: 1024, 64>}]} {
    %jit3A = arith.constant 8 : i32
    %div3A = arith.divsi %arg0, %jit3A : i32
    %sign3A = arith.constant 0 : i32
    %sign3A_0 = arith.cmpi sgt, %arg0, %sign3A : i32
    %sign3A_1 = arith.extui %sign3A_0 : i1 to i32
    %sign3A_2 = arith.constant 0 : i32
    %sign3A_3 = arith.cmpi slt, %arg0, %sign3A_2 : i32
    %sign3A_4 = arith.extui %sign3A_3 : i1 to i32
    %sign3A_5 = arith.subi %sign3A_1, %sign3A_4 : i32
    %sign3A_6 = arith.constant 0 : i32
    %sign3A_7 = arith.cmpi sgt, %jit3A, %sign3A_6 : i32
    %sign3A_8 = arith.extui %sign3A_7 : i1 to i32
    %sign3A_9 = arith.constant 0 : i32
    %sign3A_10 = arith.cmpi slt, %jit3A, %sign3A_9 : i32
    %sign3A_11 = arith.extui %sign3A_10 : i1 to i32
    %sign3A_12 = arith.subi %sign3A_8, %sign3A_11 : i32
    %ne3A = arith.cmpi ne, %sign3A_5, %sign3A_12 : i32
    %rem3A = arith.remsi %arg0, %jit3A : i32
    %ne3A_13 = arith.constant 0 : i32
    %ne3A_14 = arith.cmpi ne, %rem3A, %ne3A_13 : i32
    %and3A = arith.andi %ne3A, %ne3A_14 : i1
    %sub3A = arith.constant 1 : i32
    %sub3A_15 = arith.subi %div3A, %sub3A : i32
    %select_n3A = arith.select %and3A, %sub3A_15, %div3A : i32
    %get3A = arith.constant 0 : index
    %get3A_16 = arith.constant 0 : index
    %get3A_17 = vector.load %arg1[%get3A, %get3A_16] : memref<1024x128xf32, #tpu.memory_space<vmem>>, vector<1024x128xf32>
    %eq3A = arith.constant 0 : i32
    %eq3A_18 = arith.cmpi eq, %select_n3A, %eq3A : i32
    %slice3A = vector.extract_strided_slice %get3A_17 {offsets = [0, 0], sizes = [1024, 64], strides = [1, 1]} : vector<1024x128xf32> to vector<1024x64xf32>
    %slice3A_19 = vector.extract_strided_slice %get3A_17 {offsets = [0, 64], sizes = [1024, 64], strides = [1, 1]} : vector<1024x128xf32> to vector<1024x64xf32>
    %select_n3A_20 = arith.select %eq3A_18, %slice3A, %slice3A_19 : vector<1024x64xf32>
    %get3A_21 = arith.constant 0 : index
    %get3A_22 = arith.constant 0 : index
    %get3A_23 = vector.load %arg2[%get3A_21, %get3A_22] : memref<1x64xf32, #tpu.memory_space<vmem>>, vector<1x64xf32>
    %add3A = vector.broadcast %get3A_23 : vector<1x64xf32> to vector<1024x64xf32>
    %add3A_24 = arith.addf %select_n3A_20, %add3A : vector<1024x64xf32>
    %swap3A = arith.constant 0 : index
    %swap3A_25 = arith.constant 0 : index
    %swap3A_26 = vector.load %arg3[%swap3A, %swap3A_25] : memref<1024x64xf32, #tpu.memory_space<vmem>>, vector<1024x64xf32>
    tpu.vector_store %arg3[%swap3A, %swap3A_25], %add3A_24 {strides = array<i32>} : memref<1024x64xf32, #tpu.memory_space<vmem>>, vector<1024x64xf32>,
    return
  }
  func.func @transform_0(%arg0: i32) -> (i32, i32) {
    %jit3A = arith.constant 8 : i32
    %eq3A = arith.constant 0 : i32
    %eq3A_0 = arith.cmpi eq, %jit3A, %eq3A : i32
    %jit3A_1 = arith.constant 1 : i32
    %select_n3A = arith.select %eq3A_0, %jit3A_1, %jit3A : i32
    %rem3A = arith.remsi %arg0, %select_n3A : i32
    %ne3A = arith.constant 0 : i32
    %ne3A_2 = arith.cmpi ne, %rem3A, %ne3A : i32
    %lt3A = arith.constant 0 : i32
    %lt3A_3 = arith.cmpi slt, %rem3A, %lt3A : i32
    %lt3A_4 = arith.constant 0 : i32
    %lt3A_5 = arith.cmpi slt, %select_n3A, %lt3A_4 : i32
    %ne3A_6 = arith.xori %lt3A_3, %lt3A_5 : i1
    %and3A = arith.andi %ne3A_6, %ne3A_2 : i1
    %add3A = arith.addi %rem3A, %select_n3A : i32
    %select_n3A_7 = arith.select %and3A, %add3A, %rem3A : i32
    %c0_i32 = arith.constant 0 : i32
    %c0_i32_8 = arith.constant 0 : i32
    return %select_n3A_7, %c0_i32 : i32, i32
  }
  func.func @transform_1(%arg0: i32) -> (i32, i32) {
    %c0_i32 = arith.constant 0 : i32
    %c0_i32_0 = arith.constant 0 : i32
    %c0_i32_1 = arith.constant 0 : i32
    return %c0_i32, %c0_i32_0 : i32, i32
  }
  func.func @transform_2(%arg0: i32) -> (i32, i32) {
    %c0_i32 = arith.constant 0 : i32
    %c0_i32_0 = arith.constant 0 : i32
    return %arg0, %c0_i32 : i32, i32
  }
}

</mosaic_0001>

<sc_bundles>
// kernel: kernel.5.cloned.1.call-start
scs
__scs_entry_jumppad:
0x0: {  	(pc) =	sbr.rel $0x88, $3  }
0x1: {  	(tag) =	ssettag $0x0;
	lr =	simm.s32 $0x1  }
0x2: {  	[smem:$0x3F9D] =	sst lr;
	_ =	strace $0xD0000000  }
0x3: {  	_ = 	snop  }
0x4: {  	_ = 	snop  }
0x5: {  	_ = 	snop  }
0x6: {  	_ = 	snop  }
0x7: {  	_ = 	snop  }
__scs_overlays_trampoline_lowered:
0x8: {  	[smem:$0x3FAC] =	sst s0  }
0x9: {  	[smem:$0x3FAD] =	sst s1  }
0xa: {  	[smem:$0x3FAE] =	sst s2  }
0xb: {  	[smem:$0x3FAF] =	sst s3  }
0xc: {  	[smem:$0x3FB0] =	sst s4  }
0xd: {  	[smem:$0x3FB1] =	sst s5  }
0xe: {  	[smem:$0x3FB2] =	sst s6  }
0xf: {  	[smem:$0x3FB3] =	sst s7  }
0x10: {  	[smem:$0x3FB4] =	sst s8  }
0x11: {  	[smem:$0x3FB5] =	sst s9;
	s0 =	simm.s32 @!p0 $0x0  }
0x12: {  	s1 =	sld [smem:$0x3F9B];
	s0 =	simm.s32 @p0 $0x1  }
0x13: {  	[smem:$0x3FB6] =	sst s0;
	s0 =	simm.s32 @!p1 $0x0  }
0x14: {  	s2 =	sld [smem:$0x3F9A];
	s0 =	simm.s32 @p1 $0x1  }
0x15: {  	[smem:$0x3FB7] =	sst s0;
	s0 =	simm.s32 @!p2 $0x0  }
0x16: {  	s3 =	sld [smem:$0x3FDB];
	s0 =	simm.s32 @p2 $0x1  }
0x17: {  	s4 =	simm.s32 $0x1BF5;
	[smem:$0x3FB9] =	sst s0  }
0x18: {  	s0 =	sld [smem:$0x3F9C];
	_ =	swait.ge [sflag:s4], $0x0  }
0x19: {  	s7 =	sld [smem:$0x3F9D]  }
0x1a: {  	s8 =	sadd.s32 $0xFFFFE003, lr  }
0x1b: {  	s9 =	sadd.s32 $0xFFFFFEF7, lr;
	s5 =	simm.s32 $0xFFFFFFFF;
	p2 =	slt.u32 s8, $0xFFFFF086  }
0x1c: {  	p1 =	slt.u32 s9, $0xF7A;
	s5 =	simm.s32 @!p2 $0x0  }
0x1d: {  	s5 =	simm.s32 @p1 $0x1;
	p0 =	seq.s32 s7, s2  }
0x1e: {  	s7 =	smul.u32 @!p0 $0xF7A, s2;
	p2 =	seq.s32 @!p0 s5, $0x0  }
0x1f: {  	s9 =	smul.u32 $0xF7A, s1;
	s8 =	simm.s32 @!p0 $0x1BF5;
	p2 =	por !p2, p0  }
0x20: {  	[sflag:s8] =	ssyncset.s32 @!p0 $0xFFFFF086;
	s6 =	sadd.s32 @!p0 s3, s7;
	s7 =	simm.s32 @!p0 $0x108  }
0x21: {  	s3 =	sadd.s32 s3, s9;
	s6 =	sadd.s32 @!p0 $0x88, s6;
	s7 =	simm.s32 @p2 $0x1082  }
0x22: {  	[simem:s7], [sflag:s8] =	dma.local @!p0 [hbm:s6], $0xF7A  }
0x23: {  	s9 =	sor.u32 $0xD0000000, s2;
	s6 =	simm.s32 $0x108;
	_ =	swait.ge @!p0 [sflag:s8], $0x0  }
0x24: {  	s3 =	sadd.s32 $0x88, s3;
	s6 =	simm.s32 @!p1 $0x1082;
	[sflag:s4] =	ssyncset.s32 $0xFFFFF086  }
0x25: {  	[simem:s6], [sflag:s4] =	dma.local [hbm:s3], $0xF7A  }
0x26: {  	[smem:$0x3F9D] =	sst s1;
	(tag) =	ssettag s2;
	_ =	strace s9  }
0x27: {  	s1 =	sld [smem:$0x3FAD]  }
0x28: {  	s2 =	sld [smem:$0x3FAE]  }
0x29: {  	s4 =	sld [smem:$0x3FB0]  }
0x2a: {  	p0 =	seq.s32 s5, $0x0;
	s5 =	sld [smem:$0x3FB1]  }
0x2b: {  	s6 =	sld [smem:$0x3FB2]  }
0x2c: {  	s7 =	sld [smem:$0x3FB3]  }
0x2d: {  	s3 =	simm.s32 $0x108;
	s8 =	sld [smem:$0x3FB4]  }
0x2e: {  	s3 =	simm.s32 @!p0 $0x1082;
	s9 =	sld [smem:$0x3FB5]  }
0x2f: {  	lr =	sadd.s32 s0, s3;
	s0 =	sld [smem:$0x3FAC]  }
0x30: {  	s3 =	sld [smem:$0x3FAF]  }
0x31: {  	[smem:$0x3FB8] =	sst s10  }
0x32: {  	s10 =	sld [smem:$0x3FB6];
	_ =	sdelay $0x3  }
0x33: {  	p0 =	seq.s32 s10, $0x1;
	s10 =	sld [smem:$0x3FB8];
	_ =	sdelay $0x3  }
0x34: {  	[smem:$0x3FB8] =	sst s10  }
0x35: {  	s10 =	sld [smem:$0x3FB7];
	_ =	sdelay $0x3  }
0x36: {  	p1 =	seq.s32 s10, $0x1;
	s10 =	sld [smem:$0x3FB8];
	_ =	sdelay $0x3  }
0x37: {  	[smem:$0x3FB8] =	sst s10  }
0x38: {  	s10 =	sld [smem:$0x3FB9]  }
0x39: {  	_ = 	snop;
	(pc) =	sbr.ind lr, $3  }
0x3a: {  	_ = 	snop  }
0x3b: {  	_ = 	snop  }
0x3c: {  	p2 =	seq.s32 s10, $0x1;
	s10 =	sld [smem:$0x3FB8]  }
0x3d: {  	_ =	shalt  }
0x3e: {  	_ =	shalt  }
0x3f: {  	_ =	shalt  }
0x40: {  	_ =	shalt  }
0x41: {  	_ =	shalt  }
0x42: {  	_ =	shalt  }
0x43: {  	_ =	shalt  }
0x44: {  	_ =	shalt  }
0x45: {  	_ =	shalt  }
0x46: {  	_ =	shalt  }
0x47: {  	_ =	shalt  }
0x48: {  	_ =	shalt  }
0x49: {  	_ =	shalt  }
0x4a: {  	_ =	shalt  }
0x4b: {  	_ =	shalt  }
0x4c: {  	_ =	shalt  }
0x4d: {  	_ =	shalt  }
0x4e: {  	_ =	shalt  }
0x4f: {  	_ =	shalt  }
0x50: {  	_ =	shalt  }
0x51: {  	_ =	shalt  }
0x52: {  	_ =	shalt  }
0x53: {  	_ =	shalt  }
0x54: {  	_ =	shalt  }
0x55: {  	_ =	shalt  }
0x56: {  	_ =	shalt  }
0x57: {  	_ =	shalt  }
0x58: {  	_ =	shalt  }
0x59: {  	_ =	shalt  }
0x5a: {  	_ =	shalt  }
0x5b: {  	_ =	shalt  }
0x5c: {  	_ =	shalt  }
0x5d: {  	_ =	shalt  }
0x5e: {  	_ =	shalt  }
0x5f: {  	_ =	shalt  }
0x60: {  	_ =	shalt  }
0x61: {  	_ =	shalt  }
0x62: {  	_ =	shalt  }
0x63: {  	_ =	shalt  }
0x64: {  	_ =	shalt  }
0x65: {  	_ =	shalt  }
0x66: {  	_ =	shalt  }
0x67: {  	_ =	shalt  }
0x68: {  	_ =	shalt  }
0x69: {  	_ =	shalt  }
0x6a: {  	_ =	shalt  }
0x6b: {  	_ =	shalt  }
0x6c: {  	_ =	shalt  }
0x6d: {  	_ =	shalt  }
0x6e: {  	_ =	shalt  }
0x6f: {  	_ =	shalt  }
0x70: {  	_ =	shalt  }
0x71: {  	_ =	shalt  }
0x72: {  	_ =	shalt  }
0x73: {  	_ =	shalt  }
0x74: {  	_ =	shalt  }
0x75: {  	_ =	shalt  }
0x76: {  	_ =	shalt  }
0x77: {  	_ =	shalt  }
0x78: {  	_ =	shalt  }
0x79: {  	_ =	shalt  }
0x7a: {  	_ =	shalt  }
0x7b: {  	_ =	shalt  }
0x7c: {  	_ =	shalt  }
0x7d: {  	_ =	shalt  }
0x7e: {  	_ =	shalt  }
0x7f: {  	_ =	shalt  }
0x80: {  	_ =	shalt  }
0x81: {  	_ =	shalt  }
0x82: {  	_ =	shalt  }
0x83: {  	_ =	shalt  }
0x84: {  	_ =	shalt  }
0x85: {  	_ =	shalt  }
0x86: {  	_ =	shalt  }
0x87: {  	_ =	shalt  }
.Lfunc_end0:
.L_simem_size_0:
called_computation_lowered:
.L_overlay_start_0:
0x88: {  	s2 =	sld [smem:$0x3FD9]  }
0x89: {  	s3 =	sld [smem:$0x3FFE];
	_ =	sdelay $0x1  }
0x8a: {  	s1 =	srdreg.scid  }
0x8b: {  	s0 =	sand.u32 $0x1, s1  }
0x8c: {  	s17 =	sshll.u32 s0, $0xA;
	s2 =	sadd.s32 s3, s2  }
0x8d: {  	s2 =	sadd.s32 s2, s17  }
0x8e: {  	[smem:$0x3FC4] =	sst s2  }
0x8f: {  	_ = 	snop  }
0x90: {  	s2 =	sld [smem:$0x3FD0];
	(tm) =	ssettm $0x1  }
0x91: {  	s18 =	sld [smem:$0x3FFB];
	_ =	sdelay $0x3  }
0x92: {  	_ =	strace s18  }
0x93: {  	s3 =	sld [smem:$0x3FFC];
	_ =	sdelay $0x3  }
0x94: {  	_ =	strace s3  }
0x95: {  	s3 =	sld [smem:$0x3FFD];
	_ =	sdelay $0x3  }
0x96: {  	_ =	strace s3  }
0x97: {  	_ =	strace $0x8FFFFFFF  }
0x98: {  	s19 =	sld [smem:$0x3FDB];
	_ =	sdelay $0x1  }
0x99: {  	s4 =	simm.s32 $_scs_section_size  }
0x9a: {  	s5 =	simm.s32 $_size__tile_overlayer_lowered;
	s6 =	simm.s32 $_tile_overlayer_lowered  }
0x9b: {  	s22 =	simm.s32 $0x1BFF;
	s21 =	sshll.u32 s6, $0x1;
	s3 =	sadd.s32 s4, s19  }
0x9c: {  	s7 =	simm.s32 $0x0;
	s20 =	sshll.u32 s5, $0x1;
	s5 =	sadd.s32 s21, s3  }
0x9d: {  	[timem:s7], [sflag:s22] =	dma.local [hbm:s5], s20  }
0x9e: {  	_ =	swait.ge [sflag:s22], s20  }
0x9f: {  	s4 =	ssub.s32 $0x0, s20;
	[sflag:s22] =	ssyncset.done $0x0  }
0xa0: {  	[sflag:s22] =	ssyncadd.s32 s4;
	_ =	sdelay $0x1  }
0xa1: {  	s23 =	simm.s32 $0x1B8B  }
0xa2: {  	_ =	swait.ge [sflag:s23], $0x1  }
0xa3: {  	[sflag:s23] =	ssyncset.done $0x0  }
0xa4: {  	s25 =	simm.s32 $0x1B8E;
	s24 =	sld [smem:$0x3FFE];
	[sflag:s23] =	ssyncadd.s32 $0xFFFFFFFF  }
0xa5: {  	s26 =	simm.s32 $execute0_lowered;
	[smem:$0x3FD2] =	sst s25  }
0xa6: {  	s5 =	sshll.u32 s26, $0x1;
	_ =	strace $0x80000046;
	[dreg:$0x1] =	wrdreg $0xFFFFFFFF  }
0xa7: {  	s28 =	simm.s32 $_size_execute0_lowered;
	s3 =	sadd.s32 s3, s5;
	[dreg:$0x0] =	wrdreg $0x0  }
0xa8: {  	s5 =	sshll.u32 s28, $0x1;
	[dreg:$0x2] =	wrdreg s3  }
0xa9: {  	[dreg:$0x3] =	wrdreg s5  }
0xaa: {  	[dreg:$0x4] =	wrdreg $0xC0  }
0xab: {  	_ =	task [dreg:s7], $0x5FFFF  }
0xac: {  	[dreg:$0x1] =	wrdreg $0xFFFFFFFF  }
0xad: {  	[dreg:$0x0] =	wrdreg $0x60  }
0xae: {  	[dreg:$0x2] =	wrdreg s24  }
0xaf: {  	[dreg:$0x3] =	wrdreg s2  }
0xb0: {  	[dreg:$0x4] =	wrdreg $0x9  }
0xb1: {  	_ =	task.clear_ibuf [dreg:s7], $0x5FFFF;
	_ =	strace $0x90000046  }
0xb2: {  	s29 =	simm.s32 $0x9;
	_ =	strace $0x80000048  }
0xb3: {  	_ =	swait.ge [sflag:s29], $0x1  }
0xb4: {  	[sflag:s29] =	ssyncadd.s32 $0xFFFFFFFF  }
0xb5: {  	_ =	strace $0x90000048  }
0xb6: {  	_ =	sfence  }
0xb7: {  	s30 =	sld [smem:$0x0];
	_ =	sdelay $0x2  }
0xb8: {  	s31 =	sshll.u32 s1, $0xD;
	s1 =	sshrl.u32 s1, $0x2  }
0xb9: {  	s3 =	sand.u32 $0x4000, s31;
	s1 =	sadd.s32 s1, s30  }
0xba: {  	s0 =	sor.u32 s3, s0;
	s1 =	sshll.u32 s1, $0x11  }
0xbb: {  	s0 =	sor.u32 s1, s0  }
0xbc: {  	s0 =	sadd.s32 $0x8F2B, s0  }
0xbd: {  	[sflag:s0] =	ssyncadd.remote.s32 $0x1  }
0xbe: {  	_ =	sfence.sel $0xFFFF  }
0xbf: {  	[dreg:$0x0] =	wrdreg $0xFFFFFFFF;
	(pc) =	sbr.abs _section_cstart, $3  }
0xc0: {  	[dreg:$0x1] =	wrdreg $0xFFFFFFFF  }
0xc1: {  	_ =	task.clear_ibuf [dreg:s7], $0x2FFFF;
	_ =	strace $0x9FFFFFFF  }
0xc2: {  	(tm) =	ssettm $0x7FFFFFFF  }
0xc3: {  	_ =	shalt  }
tec
execute0_lowered:
.L_overlay_start_1:
0x0: {  	(tag) =	ssettag $0x1  }
0x1: {  	s1 =	srdreg.scid;
	s4 =	rddreg [dreg:$0x0]  }
0x2: {  	s0 =	stileid.u32;
	s6 =	rddreg [dreg:$0x1];
	s2 =	simm.s32 $0x0  }
0x3: {  	s10 =	simm.s32 $0x2800;
	s11 =	simm.s32 $0x100;
	s12 =	simm.s32 $0x3800  }
0x4: {  	s13 =	simm.s32 $0x4800;
	s14 =	simm.s32 $0x5800;
	s15 =	simm.s32 $0x6800  }
0x5: {  	s16 =	simm.s32 $0x1;
	s17 =	simm.s32 $0x2;
	s18 =	simm.s32 $0x40  }
0x6: {  	s19 =	simm.s32 $0x7800;
	s5 =	sand.u32 $0x1, s1;
	s1 =	rddreg [dreg:$0x2]  }
0x7: {  	s20 =	simm.s32 $0x0;
	s29 =	sshll.u32 s0, $0x1;
	[smem:$0x7FF] =	sst s2  }
0x8: {  	s3 =	sadd.s32 $0xC00, s4;
	s30 =	sand.u32 $0x8, s0;
	s7 =	sor.u32 s5, s29  }
0x9: {  	_ =	strace $0x80000047;
	s5 =	ssub.s32 $0x2, s5;
	s6 =	sadd.s32 s6, s30  }
0xa: {  	s8 =	smul.u32 $0x300, s7;
	s7 =	sshll.u32 s7, $0xD;
	s9 =	sshrl.u32 s5, $0x1  }
0xb: {  	s7 =	sand.u32 $0x1E000, s7;
	s31 =	ssub.s32 s5, s9;
	s9 =	simm.s32 $0x1800  }
0xc: {  	s4 =	sadd.s32 s8, s4;
	s5 =	sadd.s32 s7, s6;
	s6 =	smax.u32 s31, $0x1  }
0xd: {  	s7 =	simm.s32 $0x3;
	s8 =	simm.s32 $0x80;
	s4 =	sadd.s32 $0xAA00, s4  }
.LBB2_1:
0xe: {  	[tilespmem:s2], [sflag:$0x3] =	stream.linear.gather [hbm4b:s4+s2], $0x1800, $0x38;
	[tilespmem:$0xF800] =	vst v63  }
0xf: {  	_ =	swait.ge [sflag:s7], $0x1800  }
0x10: {  	[sflag:s7] =	ssyncset.done $0x0  }
0x11: {  	[sflag:s7] =	ssyncadd.s32 $0xFFFFE800  }
0x12: {  	[tilespmem:s9], [sflag:$0x1] =	stream.indirect.gather [hbm4b:s3+s8], $0x20, s2, s8, $0xb8;
	[tilespmem:$0xF800] =	vst v63  }
0x13: {  	_ = 	snop  }
0x14: {  	[tilespmem:s10], [sflag:$0x1] =	stream.indirect.gather [hbm4b:s3+s8], $0x20, s8, s8, $0xb8;
	[tilespmem:$0xF800] =	vst v63  }
0x15: {  	s21 =	simm.s32 $0x7840;
	s22 =	simm.s32 $0x8070;
	s23 =	simm.s32 $0x0  }
0x16: {  	[tilespmem:s12], [sflag:$0x1] =	stream.indirect.gather [hbm4b:s3+s8], $0x20, s11, s8, $0xb8;
	[tilespmem:$0xF800] =	vst v63  }
.LBB2_2:
0x17: {  	s24 =	sshllo.u32 s23, $0x1  }
0x18: {  	s24 =	smul.u32 $0x600, s24;
	_ =	sdelay $0x1  }
0x19: {  	s24 =	sshra.s32 s24, $0x2  }
0x1a: {  	[tilespmem:s13], [sflag:$0x2] =	stream.indirect.gather [hbm4b:s3+s8], $0x20, s24, s8, $0xb8;
	[tilespmem:$0xF800] =	vst v63  }
0x1b: {  	s25 =	sadd.s32 $0x80, s24  }
0x1c: {  	[tilespmem:s14], [sflag:$0x2] =	stream.indirect.gather [hbm4b:s3+s8], $0x20, s25, s8, $0xb8;
	[tilespmem:$0xF800] =	vst v63  }
0x1d: {  	s24 =	sadd.s32 $0x100, s24  }
0x1e: {  	[tilespmem:s15], [sflag:$0x2] =	stream.indirect.gather [hbm4b:s3+s8], $0x20, s24, s8, $0xb8;
	[tilespmem:$0xF800] =	vst v63  }
0x1f: {  	_ =	swait.ge [sflag:s16], $0x1000  }
0x20: {  	[sflag:s16] =	ssyncset.done $0x0  }
0x21: {  	[sflag:s16] =	ssyncadd.s32 $0xFFFFF000  }
0x22: {  	_ =	swait.ge [sflag:s16], $0x1000  }
0x23: {  	[sflag:s16] =	ssyncset.done $0x0  }
0x24: {  	[sflag:s16] =	ssyncadd.s32 $0xFFFFF000  }
0x25: {  	_ =	swait.ge [sflag:s16], $0x1000  }
0x26: {  	[sflag:s16] =	ssyncset.done $0x0  }
0x27: {  	s24 =	simm.s32 $0x1980;
	[sflag:s16] =	ssyncadd.s32 $0xFFFFF000  }
0x28: {  	v0 =	vld [tilespmem:s24+$0xFFFFFE90]  }
0x29: {  	v1 =	vld [tilespmem:s24+$0xFFFFFEB0]  }
0x2a: {  	v2 =	vld [tilespmem:s24+$0xFFFFFE80]  }
0x2b: {  	v3 =	vld [tilespmem:s24+$0xFFFFFEA0]  }
0x2c: {  	v4 =	vld [tilespmem:s24+$0xFFFFFED0];
	_ =	sdelay $0x2  }
0x2d: {  	v5 =	vld [tilespmem:s24+$0xFFFFFEC0];
	v6 =	vshll.u32 v0, $0x10;
	v0 =	vand.u32 $0xFFFF0000, v0  }
0x2e: {  	v9 =	vld [tilespmem:s24+$0xFFFFFEE0];
	v8 =	vshll.u32 v1, $0x10;
	v1 =	vand.u32 $0xFFFF0000, v1;
	v10 =	vand.u32 $0xFFFF0000, v2  }
0x2f: {  	v7 =	vld [tilespmem:s24+$0xFFFFFEF0];
	v11 =	vshll.u32 v3, $0x10;
	v3 =	vand.u32 $0xFFFF0000, v3;
	v12 =	vshll.u32 v4, $0x10  }
0x30: {  	v13 =	vld [tilespmem:s24+$0xFFFFFF00];
	v0 =	vadd.f32 v1, v0;
	v1 =	vshll.u32 v2, $0x10;
	v3 =	vadd.f32 v3, v10  }
0x31: {  	v4 =	vand.u32 $0xFFFF0000, v4;
	v2 =	vld [tilespmem:s24+$0xFFFFFF10];
	v6 =	vadd.f32 v8, v6;
	v1 =	vadd.f32 v11, v1  }
0x32: {  	v11 =	vand.u32 $0xFFFF0000, v5;
	v5 =	vshll.u32 v5, $0x10;
	v0 =	vadd.f32 v4, v0  }
0x33: {  	v8 =	vld [tilespmem:s24+$0xFFFFFF30];
	v4 =	vshll.u32 v9, $0x10;
	v3 =	vadd.f32 v11, v3;
	v9 =	vand.u32 $0xFFFF0000, v9  }
0x34: {  	v11 =	vld [tilespmem:s24+$0xFFFFFF50];
	v6 =	vadd.f32 v12, v6;
	v1 =	vadd.f32 v5, v1;
	v5 =	vand.u32 $0xFFFF0000, v7  }
0x35: {  	v10 =	vshll.u32 v7, $0x10;
	v7 =	vld [tilespmem:s24+$0xFFFFFF20];
	v0 =	vadd.f32 v5, v0;
	v3 =	vadd.f32 v9, v3  }
0x36: {  	v6 =	vadd.f32 v10, v6;
	v10 =	vand.u32 $0xFFFF0000, v13;
	v5 =	vshll.u32 v2, $0x10  }
0x37: {  	v9 =	vld [tilespmem:s24+$0xFFFFFF40];
	v2 =	vand.u32 $0xFFFF0000, v2;
	v1 =	vadd.f32 v4, v1;
	v4 =	vshll.u32 v13, $0x10  }
0x38: {  	v12 =	vshll.u32 v8, $0x10;
	v0 =	vadd.f32 v2, v0;
	v5 =	vadd.f32 v5, v6  }
0x39: {  	v8 =	vand.u32 $0xFFFF0000, v8;
	v2 =	vld [tilespmem:s24+$0xFFFFFF70];
	v3 =	vadd.f32 v10, v3;
	v1 =	vadd.f32 v4, v1  }
0x3a: {  	v14 =	vld [tilespmem:s24+$0xFFFFFF80];
	v6 =	vand.u32 $0xFFFF0000, v11;
	v4 =	vshll.u32 v7, $0x10;
	v0 =	vadd.f32 v8, v0  }
0x3b: {  	v8 =	vld [tilespmem:s24+$0xFFFFFF60];
	v7 =	vand.u32 $0xFFFF0000, v7;
	v5 =	vadd.f32 v12, v5;
	v1 =	vadd.f32 v4, v1  }
0x3c: {  	v4 =	vshll.u32 v11, $0x10;
	v11 =	vld [tilespmem:s24+$0xFFFFFF90];
	v10 =	vshll.u32 v9, $0x10;
	v3 =	vadd.f32 v7, v3  }
0x3d: {  	v9 =	vand.u32 $0xFFFF0000, v9;
	v0 =	vadd.f32 v6, v0;
	v4 =	vadd.f32 v4, v5  }
0x3e: {  	v6 =	vld [tilespmem:s24+$0xFFFFFFB0];
	v13 =	vshll.u32 v2, $0x10;
	v1 =	vadd.f32 v10, v1;
	v2 =	vand.u32 $0xFFFF0000, v2  }
0x3f: {  	v7 =	vld [tilespmem:s24+$0xFFFFFFA0];
	v3 =	vadd.f32 v9, v3;
	v10 =	vshll.u32 v14, $0x10;
	v0 =	vadd.f32 v2, v0  }
0x40: {  	v2 =	vld [tilespmem:s24+$0xFFFFFFD0];
	v4 =	vadd.f32 v13, v4;
	v5 =	vshll.u32 v8, $0x10;
	v8 =	vand.u32 $0xFFFF0000, v8  }
0x41: {  	v9 =	vshll.u32 v11, $0x10;
	v11 =	vand.u32 $0xFFFF0000, v11;
	v1 =	vadd.f32 v5, v1  }
0x42: {  	v12 =	vld [tilespmem:s24+$0xFFFFFFC0];
	v3 =	vadd.f32 v8, v3;
	v8 =	vand.u32 $0xFFFF0000, v14;
	v0 =	vadd.f32 v11, v0  }
0x43: {  	v5 =	vand.u32 $0xFFFF0000, v6;
	v11 =	vld [tilespmem:s24+$0xFFFFFFF0];
	v6 =	vshll.u32 v6, $0x10;
	v4 =	vadd.f32 v9, v4  }
0x44: {  	v9 =	vshll.u32 v7, $0x10;
	v7 =	vand.u32 $0xFFFF0000, v7;
	v3 =	vadd.f32 v8, v3  }
0x45: {  	v1 =	vadd.f32 v10, v1;
	v13 =	vshll.u32 v2, $0x10;
	v0 =	vadd.f32 v5, v0;
	v5 =	vld [tilespmem:s24+$0xFFFFFFE0]  }
0x46: {  	v4 =	vadd.f32 v6, v4;
	v2 =	vand.u32 $0xFFFF0000, v2;
	v3 =	vadd.f32 v7, v3  }
0x47: {  	v6 =	vand.u32 $0xFFFF0000, v12;
	v1 =	vadd.f32 v9, v1;
	v0 =	vadd.f32 v2, v0  }
0x48: {  	v7 =	vshll.u32 v12, $0x10;
	v4 =	vadd.f32 v13, v4;
	v2 =	vand.u32 $0xFFFF0000, v11  }
0x49: {  	v3 =	vadd.f32 v6, v3;
	v0 =	vadd.f32 v2, v0;
	v2 =	vshll.u32 v11, $0x10  }
0x4a: {  	v1 =	vadd.f32 v7, v1;
	v6 =	vand.u32 $0xFFFF0000, v5;
	v2 =	vadd.f32 v2, v4  }
0x4b: {  	v4 =	vshll.u32 v5, $0x10;
	v3 =	vadd.f32 v6, v3;
	[tilespmem:s21+$0xFFFFFFF0] =	vst v0  }
0x4c: {  	v0 =	vadd.f32 v4, v1;
	[tilespmem:s21+$0xFFFFFFE0] =	vst v2  }
0x4d: {  	[tilespmem:s21+$0xFFFFFFD0] =	vst v3  }
0x4e: {  	[tilespmem:s21+$0xFFFFFFC0] =	vst v0  }
0x4f: {  	v2 =	vld [tilespmem:s24+$0x40]  }
0x50: {  	v0 =	vld [tilespmem:s24+$0x10]  }
0x51: {  	v1 =	vld [tilespmem:s24+$0x30]  }
0x52: {  	v4 =	vld [tilespmem:s24+$0x20]  }
0x53: {  	v5 =	vld [tilespmem:s24+$0x50]  }
0x54: {  	v6 =	vld [tilespmem:s24+$0x70]  }
0x55: {  	v9 =	vld [tilespmem:s24+$0x0]  }
0x56: {  	v7 =	vshll.u32 v0, $0x10;
	v0 =	vand.u32 $0xFFFF0000, v0;
	v8 =	vshll.u32 v1, $0x10  }
0x57: {  	v10 =	vld [tilespmem:s24+$0x90];
	v11 =	vshll.u32 v4, $0x10;
	v1 =	vand.u32 $0xFFFF0000, v1;
	v7 =	vadd.f32 v8, v7  }
0x58: {  	v4 =	vand.u32 $0xFFFF0000, v4;
	v0 =	vadd.f32 v1, v0;
	v1 =	vshll.u32 v5, $0x10  }
0x59: {  	v13 =	vshll.u32 v2, $0x10;
	v5 =	vand.u32 $0xFFFF0000, v5;
	v7 =	vadd.f32 v1, v7;
	v1 =	vld [tilespmem:s24+$0xB0]  }
0x5a: {  	v3 =	vld [tilespmem:s24+$0x60];
	v12 =	vshll.u32 v9, $0x10;
	v8 =	vshll.u32 v6, $0x10;
	v0 =	vadd.f32 v5, v0  }
0x5b: {  	v9 =	vand.u32 $0xFFFF0000, v9;
	v6 =	vand.u32 $0xFFFF0000, v6;
	v14 =	vadd.f32 v8, v7;
	v8 =	vld [tilespmem:s24+$0xD0]  }
0x5c: {  	v15 =	vshll.u32 v10, $0x10;
	v16 =	vadd.f32 v11, v12;
	v6 =	vadd.f32 v6, v0;
	v0 =	vld [tilespmem:s24+$0xF0]  }
0x5d: {  	v10 =	vand.u32 $0xFFFF0000, v10;
	v11 =	vadd.f32 v4, v9;
	v7 =	vld [tilespmem:s24+$0x80];
	v14 =	vadd.f32 v15, v14  }
0x5e: {  	s26 =	simm.s32 $0x0;
	v12 =	vand.u32 $0xFFFF0000, v2;
	v2 =	vld [tilespmem:s24+$0x110];
	v4 =	vadd.f32 v10, v6;
	v10 =	vshll.u32 v1, $0x10  }
0x5f: {  	s28 =	simm.s32 $0x1980;
	s29 =	smov.u32 s21;
	s25 =	smov.u32 s21;
	v5 =	vshll.u32 v3, $0x10;
	v9 =	vadd.f32 v13, v16;
	v6 =	vld [tilespmem:s24+$0xA0];
	v10 =	vadd.f32 v10, v14  }
.LBB2_3:
0x60: {  	s26 =	sadd.s32 $0x2, s26;
	v11 =	vadd.f32 v12, v11;
	v12 =	vld [tilespmem:s24+$0xC0];
	v13 =	vshll.u32 v8, $0x10;
	v8 =	vand.u32 $0xFFFF0000, v8;
	s28 =	sadd.s32 $0x300, s28;
	s29 =	sadd.s32 $0x80, s29  }
0x61: {  	v3 =	vand.u32 $0xFFFF0000, v3;
	p0 =	slt.u32 s26, $0x1E;
	v5 =	vadd.f32 v5, v9;
	v9 =	vadd.f32 v13, v10;
	v10 =	vld [tilespmem:s24+$0x130]  }
0x62: {  	v13 =	vshll.u32 v0, $0x10;
	v3 =	vadd.f32 v3, v11;
	v11 =	vshll.u32 v7, $0x10  }
0x63: {  	v7 =	vand.u32 $0xFFFF0000, v7;
	v5 =	vadd.f32 v11, v5;
	v9 =	vadd.f32 v13, v9;
	v11 =	vld [tilespmem:s24+$0x150]  }
0x64: {  	v3 =	vadd.f32 v7, v3;
	v7 =	vshll.u32 v6, $0x10;
	v13 =	vld [tilespmem:s24+$0xE0];
	v14 =	vshll.u32 v2, $0x10  }
0x65: {  	v6 =	vand.u32 $0xFFFF0000, v6;
	v5 =	vadd.f32 v7, v5;
	v7 =	vadd.f32 v14, v9;
	v9 =	vld [tilespmem:s24+$0x170]  }
0x66: {  	v3 =	vadd.f32 v6, v3;
	v6 =	vshll.u32 v12, $0x10;
	v14 =	vld [tilespmem:s24+$0x100];
	v15 =	vshll.u32 v10, $0x10  }
0x67: {  	v12 =	vand.u32 $0xFFFF0000, v12;
	v5 =	vadd.f32 v6, v5;
	v6 =	vadd.f32 v15, v7  }
0x68: {  	v1 =	vand.u32 $0xFFFF0000, v1;
	v3 =	vadd.f32 v12, v3;
	v7 =	vld [tilespmem:s24+$0x120];
	v12 =	vshll.u32 v11, $0x10  }
0x69: {  	v1 =	vadd.f32 v1, v4;
	v4 =	vshll.u32 v13, $0x10;
	v6 =	vadd.f32 v12, v6  }
0x6a: {  	v12 =	vand.u32 $0xFFFF0000, v13;
	v4 =	vadd.f32 v4, v5;
	v5 =	vld [tilespmem:s24+$0x140];
	v13 =	vshll.u32 v9, $0x10  }
0x6b: {  	v1 =	vadd.f32 v8, v1;
	v8 =	vshll.u32 v14, $0x10;
	v6 =	vadd.f32 v13, v6  }
0x6c: {  	v0 =	vand.u32 $0xFFFF0000, v0;
	v3 =	vadd.f32 v12, v3;
	v4 =	vadd.f32 v8, v4;
	v8 =	vld [tilespmem:s24+$0x160];
	s24 =	smov.u32 s28  }
0x6d: {  	v0 =	vadd.f32 v0, v1;
	v1 =	vand.u32 $0xFFFF0000, v14;
	v12 =	vshll.u32 v7, $0x10;
	[tilespmem:s25+$0x20] =	vst v6  }
0x6e: {  	v2 =	vand.u32 $0xFFFF0000, v2;
	v1 =	vadd.f32 v1, v3;
	v3 =	vadd.f32 v12, v4  }
0x6f: {  	v0 =	vadd.f32 v2, v0;
	v2 =	vand.u32 $0xFFFF0000, v7;
	v4 =	vshll.u32 v5, $0x10  }
0x70: {  	v1 =	vadd.f32 v2, v1;
	v2 =	vand.u32 $0xFFFF0000, v10;
	v3 =	vadd.f32 v4, v3  }
0x71: {  	v0 =	vadd.f32 v2, v0;
	v2 =	vand.u32 $0xFFFF0000, v5;
	v4 =	vshll.u32 v8, $0x10  }
0x72: {  	v1 =	vadd.f32 v2, v1;
	v2 =	vand.u32 $0xFFFF0000, v11;
	v3 =	vadd.f32 v4, v3  }
0x73: {  	v0 =	vadd.f32 v2, v0;
	v2 =	vand.u32 $0xFFFF0000, v8  }
0x74: {  	v1 =	vadd.f32 v2, v1;
	v2 =	vand.u32 $0xFFFF0000, v9;
	[tilespmem:s25+$0x0] =	vst v3  }
0x75: {  	v0 =	vadd.f32 v2, v0  }
0x76: {  	[tilespmem:s25+$0x10] =	vst v1  }
0x77: {  	[tilespmem:s25+$0x30] =	vst v0;
	s25 =	smov.u32 s29  }
0x78: {  	v0 =	vld [tilespmem:s28+$0xFFFFFE90]  }
0x79: {  	v1 =	vld [tilespmem:s28+$0xFFFFFEA0]  }
0x7a: {  	v2 =	vld [tilespmem:s28+$0xFFFFFEB0]  }
0x7b: {  	v3 =	vld [tilespmem:s28+$0xFFFFFE80]  }
0x7c: {  	v4 =	vld [tilespmem:s28+$0xFFFFFED0]  }
0x7d: {  	v5 =	vld [tilespmem:s28+$0xFFFFFEC0]  }
0x7e: {  	v6 =	vshll.u32 v0, $0x10;
	v7 =	vld [tilespmem:s28+$0xFFFFFEF0]  }
0x7f: {  	v0 =	vand.u32 $0xFFFF0000, v0;
	v8 =	vshll.u32 v2, $0x10;
	v2 =	vand.u32 $0xFFFF0000, v2;
	v9 =	vld [tilespmem:s28+$0xFFFFFEE0]  }
0x80: {  	v11 =	vshll.u32 v1, $0x10;
	v10 =	vand.u32 $0xFFFF0000, v3;
	v0 =	vadd.f32 v2, v0;
	v2 =	vld [tilespmem:s28+$0xFFFFFF10]  }
0x81: {  	v1 =	vand.u32 $0xFFFF0000, v1;
	v3 =	vshll.u32 v3, $0x10;
	v12 =	vshll.u32 v4, $0x10  }
0x82: {  	v3 =	vadd.f32 v11, v3;
	v4 =	vand.u32 $0xFFFF0000, v4;
	v11 =	vand.u32 $0xFFFF0000, v5  }
0x83: {  	v1 =	vadd.f32 v1, v10;
	v5 =	vshll.u32 v5, $0x10;
	v10 =	vshll.u32 v7, $0x10;
	v13 =	vld [tilespmem:s28+$0xFFFFFF00]  }
0x84: {  	v6 =	vadd.f32 v8, v6;
	v0 =	vadd.f32 v4, v0;
	v4 =	vshll.u32 v9, $0x10;
	v8 =	vld [tilespmem:s28+$0xFFFFFF30]  }
0x85: {  	v3 =	vadd.f32 v5, v3;
	v1 =	vadd.f32 v11, v1;
	v5 =	vand.u32 $0xFFFF0000, v7;
	v7 =	vld [tilespmem:s28+$0xFFFFFF20]  }
0x86: {  	v9 =	vand.u32 $0xFFFF0000, v9;
	v0 =	vadd.f32 v5, v0;
	v5 =	vshll.u32 v2, $0x10;
	v11 =	vld [tilespmem:s28+$0xFFFFFF50]  }
0x87: {  	v6 =	vadd.f32 v12, v6;
	v1 =	vadd.f32 v9, v1;
	v2 =	vand.u32 $0xFFFF0000, v2;
	v9 =	vld [tilespmem:s28+$0xFFFFFF40]  }
0x88: {  	v3 =	vadd.f32 v4, v3;
	v0 =	vadd.f32 v2, v0;
	v4 =	vshll.u32 v13, $0x10;
	v2 =	vld [tilespmem:s28+$0xFFFFFF70]  }
0x89: {  	v6 =	vadd.f32 v10, v6;
	v10 =	vand.u32 $0xFFFF0000, v13;
	v12 =	vshll.u32 v8, $0x10  }
0x8a: {  	v3 =	vadd.f32 v4, v3;
	v8 =	vand.u32 $0xFFFF0000, v8;
	v4 =	vshll.u32 v7, $0x10  }
0x8b: {  	v5 =	vadd.f32 v5, v6;
	v0 =	vadd.f32 v8, v0;
	v6 =	vand.u32 $0xFFFF0000, v11;
	v8 =	vld [tilespmem:s28+$0xFFFFFF60]  }
0x8c: {  	v7 =	vand.u32 $0xFFFF0000, v7;
	v3 =	vadd.f32 v4, v3;
	v4 =	vshll.u32 v11, $0x10;
	v11 =	vld [tilespmem:s28+$0xFFFFFF90]  }
0x8d: {  	v1 =	vadd.f32 v10, v1;
	v10 =	vshll.u32 v9, $0x10;
	v13 =	vshll.u32 v2, $0x10;
	v14 =	vld [tilespmem:s28+$0xFFFFFF80]  }
0x8e: {  	v5 =	vadd.f32 v12, v5;
	v9 =	vand.u32 $0xFFFF0000, v9;
	v0 =	vadd.f32 v6, v0;
	v6 =	vld [tilespmem:s28+$0xFFFFFFB0]  }
0x8f: {  	v1 =	vadd.f32 v7, v1;
	v3 =	vadd.f32 v10, v3;
	v2 =	vand.u32 $0xFFFF0000, v2;
	v7 =	vld [tilespmem:s28+$0xFFFFFFA0]  }
0x90: {  	v4 =	vadd.f32 v4, v5;
	v0 =	vadd.f32 v2, v0;
	v5 =	vshll.u32 v8, $0x10;
	v2 =	vld [tilespmem:s28+$0xFFFFFFD0]  }
0x91: {  	v1 =	vadd.f32 v9, v1;
	v8 =	vand.u32 $0xFFFF0000, v8;
	v9 =	vshll.u32 v11, $0x10  }
0x92: {  	v4 =	vadd.f32 v13, v4;
	v11 =	vand.u32 $0xFFFF0000, v11;
	v10 =	vshll.u32 v14, $0x10  }
0x93: {  	v3 =	vadd.f32 v5, v3;
	v0 =	vadd.f32 v11, v0;
	v5 =	vand.u32 $0xFFFF0000, v6;
	v11 =	vld [tilespmem:s28+$0xFFFFFFF0]  }
0x94: {  	v1 =	vadd.f32 v8, v1;
	v8 =	vand.u32 $0xFFFF0000, v14;
	v6 =	vshll.u32 v6, $0x10;
	v12 =	vld [tilespmem:s28+$0xFFFFFFC0]  }
0x95: {  	v4 =	vadd.f32 v9, v4;
	v9 =	vshll.u32 v7, $0x10;
	v13 =	vshll.u32 v2, $0x10  }
0x96: {  	v1 =	vadd.f32 v8, v1;
	v7 =	vand.u32 $0xFFFF0000, v7;
	v0 =	vadd.f32 v5, v0;
	v5 =	vld [tilespmem:s28+$0xFFFFFFE0]  }
0x97: {  	v3 =	vadd.f32 v10, v3;
	v4 =	vadd.f32 v6, v4;
	v2 =	vand.u32 $0xFFFF0000, v2  }
0x98: {  	v1 =	vadd.f32 v7, v1;
	v0 =	vadd.f32 v2, v0;
	v2 =	vand.u32 $0xFFFF0000, v11  }
0x99: {  	v3 =	vadd.f32 v9, v3;
	v4 =	vadd.f32 v13, v4;
	v6 =	vand.u32 $0xFFFF0000, v12  }
0x9a: {  	v7 =	vshll.u32 v12, $0x10;
	v0 =	vadd.f32 v2, v0;
	v1 =	vadd.f32 v6, v1  }
0x9b: {  	v2 =	vadd.f32 v7, v3;
	v6 =	vshll.u32 v11, $0x10;
	v3 =	vand.u32 $0xFFFF0000, v5  }
0x9c: {  	v5 =	vshll.u32 v5, $0x10;
	v1 =	vadd.f32 v3, v1;
	v3 =	vadd.f32 v6, v4  }
0x9d: {  	v2 =	vadd.f32 v5, v2;
	[tilespmem:s29+$0xFFFFFFF0] =	vst v0  }
0x9e: {  	[tilespmem:s29+$0xFFFFFFE0] =	vst v3  }
0x9f: {  	[tilespmem:s29+$0xFFFFFFD0] =	vst v1  }
0xa0: {  	[tilespmem:s29+$0xFFFFFFC0] =	vst v2  }
0xa1: {  	v2 =	vld [tilespmem:s28+$0x40]  }
0xa2: {  	v0 =	vld [tilespmem:s28+$0x10]  }
0xa3: {  	v1 =	vld [tilespmem:s28+$0x20]  }
0xa4: {  	v4 =	vld [tilespmem:s28+$0x30]  }
0xa5: {  	v5 =	vld [tilespmem:s28+$0x50]  }
0xa6: {  	v6 =	vld [tilespmem:s28+$0x70]  }
0xa7: {  	v7 =	vshll.u32 v0, $0x10;
	v0 =	vand.u32 $0xFFFF0000, v0;
	v9 =	vld [tilespmem:s28+$0x90]  }
0xa8: {  	v10 =	vshll.u32 v1, $0x10;
	v11 =	vand.u32 $0xFFFF0000, v1;
	v3 =	vld [tilespmem:s28+$0x60]  }
0xa9: {  	v12 =	vld [tilespmem:s28+$0x0];
	v1 =	vshll.u32 v4, $0x10;
	v4 =	vand.u32 $0xFFFF0000, v4  }
0xaa: {  	v1 =	vadd.f32 v1, v7;
	v7 =	vand.u32 $0xFFFF0000, v5  }
0xab: {  	v0 =	vadd.f32 v4, v0;
	v4 =	vshll.u32 v5, $0x10  }
0xac: {  	v13 =	vshll.u32 v2, $0x10;
	v4 =	vadd.f32 v4, v1;
	v1 =	vld [tilespmem:s28+$0xB0]  }
0xad: {  	v0 =	vadd.f32 v7, v0;
	v7 =	vshll.u32 v6, $0x10;
	v5 =	vshll.u32 v3, $0x10  }
.Ltmp0:
0xae: {  	v6 =	vand.u32 $0xFFFF0000, v6;
	v14 =	vshll.u32 v12, $0x10;
	v4 =	vadd.f32 v7, v4;
	v8 =	vld [tilespmem:s28+$0xD0];
	(pc) =	sbr.rel @p0 .LBB2_3-.Ltmp0, $4  }
0xaf: {  	v15 =	vshll.u32 v9, $0x10;
	v12 =	vand.u32 $0xFFFF0000, v12;
	v6 =	vadd.f32 v6, v0;
	v0 =	vld [tilespmem:s28+$0xF0]  }
0xb0: {  	v9 =	vand.u32 $0xFFFF0000, v9;
	v10 =	vadd.f32 v10, v14;
	v7 =	vld [tilespmem:s28+$0x80];
	v14 =	vadd.f32 v15, v4  }
0xb1: {  	v11 =	vadd.f32 v11, v12;
	v4 =	vadd.f32 v9, v6;
	v6 =	vld [tilespmem:s28+$0xA0];
	v15 =	vshll.u32 v1, $0x10  }
0xb2: {  	v12 =	vand.u32 $0xFFFF0000, v2;
	v9 =	vadd.f32 v13, v10;
	v10 =	vadd.f32 v15, v14;
	v2 =	vld [tilespmem:s28+$0x110]  }
0xb3: {  	v11 =	vadd.f32 v12, v11;
	v12 =	vshll.u32 v8, $0x10  }
0xb4: {  	v8 =	vand.u32 $0xFFFF0000, v8;
	v3 =	vand.u32 $0xFFFF0000, v3;
	v1 =	vand.u32 $0xFFFF0000, v1  }
0xb5: {  	v13 =	vld [tilespmem:s24+$0xC0];
	v5 =	vadd.f32 v5, v9;
	v9 =	vadd.f32 v12, v10;
	v12 =	vshll.u32 v0, $0x10  }
0xb6: {  	v10 =	vld [tilespmem:s24+$0x130];
	v1 =	vadd.f32 v1, v4;
	v3 =	vadd.f32 v3, v11;
	v11 =	vshll.u32 v7, $0x10  }
0xb7: {  	v7 =	vand.u32 $0xFFFF0000, v7;
	v5 =	vadd.f32 v11, v5;
	v9 =	vadd.f32 v12, v9  }
0xb8: {  	v12 =	vld [tilespmem:s24+$0xE0];
	v1 =	vadd.f32 v8, v1;
	v3 =	vadd.f32 v7, v3;
	v7 =	vshll.u32 v6, $0x10  }
0xb9: {  	v0 =	vand.u32 $0xFFFF0000, v0;
	v11 =	vld [tilespmem:s24+$0x150];
	v14 =	vshll.u32 v2, $0x10;
	v5 =	vadd.f32 v7, v5  }
0xba: {  	v6 =	vand.u32 $0xFFFF0000, v6;
	v9 =	vadd.f32 v14, v9;
	v14 =	vld [tilespmem:s24+$0x100];
	v0 =	vadd.f32 v0, v1  }
0xbb: {  	v7 =	vld [tilespmem:s24+$0x170];
	v3 =	vadd.f32 v6, v3;
	v6 =	vshll.u32 v13, $0x10;
	v15 =	vshll.u32 v10, $0x10  }
0xbc: {  	v13 =	vand.u32 $0xFFFF0000, v13;
	v5 =	vadd.f32 v6, v5;
	v6 =	vadd.f32 v15, v9;
	v9 =	vld [tilespmem:s24+$0x120]  }
0xbd: {  	v2 =	vand.u32 $0xFFFF0000, v2;
	v3 =	vadd.f32 v13, v3;
	v4 =	vshll.u32 v12, $0x10  }
0xbe: {  	v0 =	vadd.f32 v2, v0;
	v12 =	vand.u32 $0xFFFF0000, v12;
	v4 =	vadd.f32 v4, v5;
	v5 =	vld [tilespmem:s24+$0x140]  }
0xbf: {  	v13 =	vshll.u32 v11, $0x10;
	v8 =	vshll.u32 v14, $0x10;
	v3 =	vadd.f32 v12, v3  }
0xc0: {  	v6 =	vadd.f32 v13, v6;
	v1 =	vand.u32 $0xFFFF0000, v14;
	v4 =	vadd.f32 v8, v4;
	v8 =	vld [tilespmem:s24+$0x160]  }
0xc1: {  	v13 =	vshll.u32 v7, $0x10;
	v12 =	vshll.u32 v9, $0x10;
	v1 =	vadd.f32 v1, v3  }
0xc2: {  	v6 =	vadd.f32 v13, v6;
	v2 =	vand.u32 $0xFFFF0000, v9;
	v3 =	vadd.f32 v12, v4  }
0xc3: {  	v4 =	vshll.u32 v5, $0x10;
	v1 =	vadd.f32 v2, v1;
	v2 =	vand.u32 $0xFFFF0000, v10  }
0xc4: {  	v3 =	vadd.f32 v4, v3;
	v0 =	vadd.f32 v2, v0;
	v2 =	vand.u32 $0xFFFF0000, v5  }
0xc5: {  	v4 =	vshll.u32 v8, $0x10;
	v1 =	vadd.f32 v2, v1;
	v2 =	vand.u32 $0xFFFF0000, v11  }
0xc6: {  	p0 =	seq.s32 s23, $0x7;
	v3 =	vadd.f32 v4, v3;
	v0 =	vadd.f32 v2, v0;
	v2 =	vand.u32 $0xFFFF0000, v8  }
0xc7: {  	s24 =	smul.u32 @!p0 $0xC00, s23;
	[tilespmem:s25+$0x20] =	vst v6;
	v1 =	vadd.f32 v2, v1;
	v2 =	vand.u32 $0xFFFF0000, v7  }
0xc8: {  	[tilespmem:s25+$0x0] =	vst v3;
	v0 =	vadd.f32 v2, v0  }
0xc9: {  	s24 =	sshra.s32 @!p0 s24, $0x2;
	[tilespmem:s25+$0x10] =	vst v1  }
0xca: {  	s26 =	simm.s32 @!p0 $0x80;
	s28 =	simm.s32 @!p0 $0x1800;
	[tilespmem:s25+$0x30] =	vst v0;
	s25 =	sadd.s32 @!p0 $0x300, s24  }
0xcb: {  	[tilespmem:s28], [sflag:$0x1] =	stream.indirect.gather @!p0 [hbm4b:s3+s26], $0x20, s25, s26, $0xb8;
	[tilespmem:$0xF800] =	vst v63  }
0xcc: {  	s25 =	sadd.s32 @!p0 $0x380, s24;
	s28 =	simm.s32 @!p0 $0x2800  }
0xcd: {  	[tilespmem:s28], [sflag:$0x1] =	stream.indirect.gather @!p0 [hbm4b:s3+s26], $0x20, s25, s26, $0xb8;
	[tilespmem:$0xF800] =	vst v63  }
0xce: {  	s24 =	sadd.s32 @!p0 $0x400, s24;
	s25 =	simm.s32 @!p0 $0x3800  }
0xcf: {  	[tilespmem:s25], [sflag:$0x1] =	stream.indirect.gather @!p0 [hbm4b:s3+s26], $0x20, s24, s26, $0xb8;
	[tilespmem:$0xF800] =	vst v63  }
0xd0: {  	_ =	swait.ge [sflag:s17], $0x1000  }
0xd1: {  	[sflag:s17] =	ssyncset.done $0x0  }
0xd2: {  	[sflag:s17] =	ssyncadd.s32 $0xFFFFF000  }
0xd3: {  	_ =	swait.ge [sflag:s17], $0x1000  }
0xd4: {  	[sflag:s17] =	ssyncset.done $0x0  }
0xd5: {  	[sflag:s17] =	ssyncadd.s32 $0xFFFFF000  }
0xd6: {  	_ =	swait.ge [sflag:s17], $0x1000  }
0xd7: {  	[sflag:s17] =	ssyncset.done $0x0  }
0xd8: {  	s24 =	simm.s32 $0x4980;
	[sflag:s17] =	ssyncadd.s32 $0xFFFFF000  }
0xd9: {  	v0 =	vld [tilespmem:s24+$0xFFFFFE90]  }
0xda: {  	v1 =	vld [tilespmem:s24+$0xFFFFFEB0]  }
0xdb: {  	v2 =	vld [tilespmem:s24+$0xFFFFFE80]  }
0xdc: {  	v3 =	vld [tilespmem:s24+$0xFFFFFEA0]  }
0xdd: {  	v4 =	vld [tilespmem:s24+$0xFFFFFED0];
	_ =	sdelay $0x2  }
0xde: {  	v5 =	vld [tilespmem:s24+$0xFFFFFEC0];
	v6 =	vshll.u32 v0, $0x10;
	v0 =	vand.u32 $0xFFFF0000, v0  }
0xdf: {  	v9 =	vld [tilespmem:s24+$0xFFFFFEE0];
	v8 =	vshll.u32 v1, $0x10;
	v1 =	vand.u32 $0xFFFF0000, v1;
	v10 =	vand.u32 $0xFFFF0000, v2  }
0xe0: {  	v7 =	vld [tilespmem:s24+$0xFFFFFEF0];
	v11 =	vshll.u32 v3, $0x10;
	v3 =	vand.u32 $0xFFFF0000, v3;
	v12 =	vshll.u32 v4, $0x10  }
0xe1: {  	v13 =	vld [tilespmem:s24+$0xFFFFFF00];
	v0 =	vadd.f32 v1, v0;
	v1 =	vshll.u32 v2, $0x10;
	v3 =	vadd.f32 v3, v10  }
0xe2: {  	v4 =	vand.u32 $0xFFFF0000, v4;
	v2 =	vld [tilespmem:s24+$0xFFFFFF10];
	v6 =	vadd.f32 v8, v6;
	v1 =	vadd.f32 v11, v1  }
0xe3: {  	v11 =	vand.u32 $0xFFFF0000, v5;
	v5 =	vshll.u32 v5, $0x10;
	v0 =	vadd.f32 v4, v0  }
0xe4: {  	v8 =	vld [tilespmem:s24+$0xFFFFFF30];
	v4 =	vshll.u32 v9, $0x10;
	v3 =	vadd.f32 v11, v3;
	v9 =	vand.u32 $0xFFFF0000, v9  }
0xe5: {  	v11 =	vld [tilespmem:s24+$0xFFFFFF50];
	v6 =	vadd.f32 v12, v6;
	v1 =	vadd.f32 v5, v1;
	v5 =	vand.u32 $0xFFFF0000, v7  }
0xe6: {  	v10 =	vshll.u32 v7, $0x10;
	v7 =	vld [tilespmem:s24+$0xFFFFFF20];
	v0 =	vadd.f32 v5, v0;
	v3 =	vadd.f32 v9, v3  }
0xe7: {  	v6 =	vadd.f32 v10, v6;
	v10 =	vand.u32 $0xFFFF0000, v13;
	v5 =	vshll.u32 v2, $0x10  }
0xe8: {  	v9 =	vld [tilespmem:s24+$0xFFFFFF40];
	v2 =	vand.u32 $0xFFFF0000, v2;
	v1 =	vadd.f32 v4, v1;
	v4 =	vshll.u32 v13, $0x10  }
0xe9: {  	v12 =	vshll.u32 v8, $0x10;
	v0 =	vadd.f32 v2, v0;
	v5 =	vadd.f32 v5, v6  }
0xea: {  	v8 =	vand.u32 $0xFFFF0000, v8;
	v2 =	vld [tilespmem:s24+$0xFFFFFF70];
	v3 =	vadd.f32 v10, v3;
	v1 =	vadd.f32 v4, v1  }
0xeb: {  	v14 =	vld [tilespmem:s24+$0xFFFFFF80];
	v6 =	vand.u32 $0xFFFF0000, v11;
	v4 =	vshll.u32 v7, $0x10;
	v0 =	vadd.f32 v8, v0  }
0xec: {  	v8 =	vld [tilespmem:s24+$0xFFFFFF60];
	v7 =	vand.u32 $0xFFFF0000, v7;
	v5 =	vadd.f32 v12, v5;
	v1 =	vadd.f32 v4, v1  }
0xed: {  	v4 =	vshll.u32 v11, $0x10;
	v11 =	vld [tilespmem:s24+$0xFFFFFF90];
	v10 =	vshll.u32 v9, $0x10;
	v3 =	vadd.f32 v7, v3  }
0xee: {  	v9 =	vand.u32 $0xFFFF0000, v9;
	v0 =	vadd.f32 v6, v0;
	v4 =	vadd.f32 v4, v5  }
0xef: {  	v6 =	vld [tilespmem:s24+$0xFFFFFFB0];
	v13 =	vshll.u32 v2, $0x10;
	v1 =	vadd.f32 v10, v1;
	v2 =	vand.u32 $0xFFFF0000, v2  }
0xf0: {  	v7 =	vld [tilespmem:s24+$0xFFFFFFA0];
	v3 =	vadd.f32 v9, v3;
	v10 =	vshll.u32 v14, $0x10;
	v0 =	vadd.f32 v2, v0  }
0xf1: {  	v2 =	vld [tilespmem:s24+$0xFFFFFFD0];
	v4 =	vadd.f32 v13, v4;
	v5 =	vshll.u32 v8, $0x10;
	v8 =	vand.u32 $0xFFFF0000, v8  }
0xf2: {  	v9 =	vshll.u32 v11, $0x10;
	v11 =	vand.u32 $0xFFFF0000, v11;
	v1 =	vadd.f32 v5, v1  }
0xf3: {  	v12 =	vld [tilespmem:s24+$0xFFFFFFC0];
	v3 =	vadd.f32 v8, v3;
	v8 =	vand.u32 $0xFFFF0000, v14;
	v0 =	vadd.f32 v11, v0  }
0xf4: {  	v5 =	vand.u32 $0xFFFF0000, v6;
	v11 =	vld [tilespmem:s24+$0xFFFFFFF0];
	v6 =	vshll.u32 v6, $0x10;
	v4 =	vadd.f32 v9, v4  }
0xf5: {  	v9 =	vshll.u32 v7, $0x10;
	v7 =	vand.u32 $0xFFFF0000, v7;
	v3 =	vadd.f32 v8, v3  }
0xf6: {  	v1 =	vadd.f32 v10, v1;
	v13 =	vshll.u32 v2, $0x10;
	v0 =	vadd.f32 v5, v0;
	v5 =	vld [tilespmem:s24+$0xFFFFFFE0]  }
0xf7: {  	v4 =	vadd.f32 v6, v4;
	v2 =	vand.u32 $0xFFFF0000, v2;
	v3 =	vadd.f32 v7, v3  }
0xf8: {  	v6 =	vand.u32 $0xFFFF0000, v12;
	v1 =	vadd.f32 v9, v1;
	v0 =	vadd.f32 v2, v0  }
0xf9: {  	v7 =	vshll.u32 v12, $0x10;
	v4 =	vadd.f32 v13, v4;
	v2 =	vand.u32 $0xFFFF0000, v11  }
0xfa: {  	v3 =	vadd.f32 v6, v3;
	v0 =	vadd.f32 v2, v0;
	v2 =	vshll.u32 v11, $0x10  }
0xfb: {  	v1 =	vadd.f32 v7, v1;
	v6 =	vand.u32 $0xFFFF0000, v5;
	v2 =	vadd.f32 v2, v4  }
0xfc: {  	v4 =	vshll.u32 v5, $0x10;
	v3 =	vadd.f32 v6, v3;
	[tilespmem:s22+$0xFFFFFFC0] =	vst v0  }
0xfd: {  	v0 =	vadd.f32 v4, v1;
	[tilespmem:s22+$0xFFFFFFB0] =	vst v2  }
0xfe: {  	[tilespmem:s22+$0xFFFFFFA0] =	vst v3  }
0xff: {  	[tilespmem:s22+$0xFFFFFF90] =	vst v0  }
0x100: {  	v2 =	vld [tilespmem:s24+$0x40]  }
0x101: {  	v0 =	vld [tilespmem:s24+$0x10]  }
0x102: {  	v1 =	vld [tilespmem:s24+$0x30]  }
0x103: {  	v4 =	vld [tilespmem:s24+$0x20]  }
0x104: {  	v5 =	vld [tilespmem:s24+$0x50]  }
0x105: {  	v6 =	vld [tilespmem:s24+$0x70]  }
0x106: {  	v9 =	vld [tilespmem:s24+$0x0]  }
0x107: {  	v7 =	vshll.u32 v0, $0x10;
	v0 =	vand.u32 $0xFFFF0000, v0;
	v8 =	vshll.u32 v1, $0x10  }
0x108: {  	v10 =	vld [tilespmem:s24+$0x90];
	v11 =	vshll.u32 v4, $0x10;
	v1 =	vand.u32 $0xFFFF0000, v1;
	v7 =	vadd.f32 v8, v7  }
0x109: {  	v4 =	vand.u32 $0xFFFF0000, v4;
	v0 =	vadd.f32 v1, v0;
	v1 =	vshll.u32 v5, $0x10  }
0x10a: {  	v13 =	vshll.u32 v2, $0x10;
	v5 =	vand.u32 $0xFFFF0000, v5;
	v7 =	vadd.f32 v1, v7;
	v1 =	vld [tilespmem:s24+$0xB0]  }
0x10b: {  	v3 =	vld [tilespmem:s24+$0x60];
	v12 =	vshll.u32 v9, $0x10;
	v8 =	vshll.u32 v6, $0x10;
	v0 =	vadd.f32 v5, v0  }
0x10c: {  	v9 =	vand.u32 $0xFFFF0000, v9;
	v6 =	vand.u32 $0xFFFF0000, v6;
	v14 =	vadd.f32 v8, v7;
	v8 =	vld [tilespmem:s24+$0xD0]  }
0x10d: {  	v15 =	vshll.u32 v10, $0x10;
	v16 =	vadd.f32 v11, v12;
	v6 =	vadd.f32 v6, v0;
	v0 =	vld [tilespmem:s24+$0xF0]  }
0x10e: {  	v10 =	vand.u32 $0xFFFF0000, v10;
	v11 =	vadd.f32 v4, v9;
	v7 =	vld [tilespmem:s24+$0x80];
	v14 =	vadd.f32 v15, v14  }
0x10f: {  	s29 =	smov.u32 s22;
	v12 =	vand.u32 $0xFFFF0000, v2;
	v2 =	vld [tilespmem:s24+$0x110];
	v4 =	vadd.f32 v10, v6;
	v10 =	vshll.u32 v1, $0x10  }
0x110: {  	s28 =	simm.s32 $0x4980;
	s26 =	simm.s32 $0x0;
	s25 =	smov.u32 s22;
	v5 =	vshll.u32 v3, $0x10;
	v9 =	vadd.f32 v13, v16;
	v6 =	vld [tilespmem:s24+$0xA0];
	v10 =	vadd.f32 v10, v14  }
.LBB2_5:
0x111: {  	s26 =	sadd.s32 $0x2, s26;
	v11 =	vadd.f32 v12, v11;
	v12 =	vld [tilespmem:s24+$0xC0];
	v13 =	vshll.u32 v8, $0x10;
	v8 =	vand.u32 $0xFFFF0000, v8;
	s28 =	sadd.s32 $0x300, s28;
	s29 =	sadd.s32 $0x80, s29  }
0x112: {  	v3 =	vand.u32 $0xFFFF0000, v3;
	p0 =	slt.u32 s26, $0x1E;
	v5 =	vadd.f32 v5, v9;
	v9 =	vadd.f32 v13, v10;
	v10 =	vld [tilespmem:s24+$0x130]  }
0x113: {  	v13 =	vshll.u32 v0, $0x10;
	v3 =	vadd.f32 v3, v11;
	v11 =	vshll.u32 v7, $0x10  }
0x114: {  	v7 =	vand.u32 $0xFFFF0000, v7;
	v5 =	vadd.f32 v11, v5;
	v9 =	vadd.f32 v13, v9;
	v11 =	vld [tilespmem:s24+$0x150]  }
0x115: {  	v3 =	vadd.f32 v7, v3;
	v7 =	vshll.u32 v6, $0x10;
	v13 =	vld [tilespmem:s24+$0xE0];
	v14 =	vshll.u32 v2, $0x10  }
0x116: {  	v6 =	vand.u32 $0xFFFF0000, v6;
	v5 =	vadd.f32 v7, v5;
	v7 =	vadd.f32 v14, v9;
	v9 =	vld [tilespmem:s24+$0x170]  }
0x117: {  	v3 =	vadd.f32 v6, v3;
	v6 =	vshll.u32 v12, $0x10;
	v14 =	vld [tilespmem:s24+$0x100];
	v15 =	vshll.u32 v10, $0x10  }
0x118: {  	v12 =	vand.u32 $0xFFFF0000, v12;
	v5 =	vadd.f32 v6, v5;
	v6 =	vadd.f32 v15, v7  }
0x119: {  	v1 =	vand.u32 $0xFFFF0000, v1;
	v3 =	vadd.f32 v12, v3;
	v7 =	vld [tilespmem:s24+$0x120];
	v12 =	vshll.u32 v11, $0x10  }
0x11a: {  	v1 =	vadd.f32 v1, v4;
	v4 =	vshll.u32 v13, $0x10;
	v6 =	vadd.f32 v12, v6  }
0x11b: {  	v12 =	vand.u32 $0xFFFF0000, v13;
	v4 =	vadd.f32 v4, v5;
	v5 =	vld [tilespmem:s24+$0x140];
	v13 =	vshll.u32 v9, $0x10  }
0x11c: {  	v1 =	vadd.f32 v8, v1;
	v8 =	vshll.u32 v14, $0x10;
	v6 =	vadd.f32 v13, v6  }
0x11d: {  	v0 =	vand.u32 $0xFFFF0000, v0;
	v3 =	vadd.f32 v12, v3;
	v4 =	vadd.f32 v8, v4;
	v8 =	vld [tilespmem:s24+$0x160];
	s24 =	smov.u32 s28  }
0x11e: {  	v0 =	vadd.f32 v0, v1;
	v1 =	vand.u32 $0xFFFF0000, v14;
	v12 =	vshll.u32 v7, $0x10;
	[tilespmem:s25+$0xFFFFFFF0] =	vst v6  }
0x11f: {  	v2 =	vand.u32 $0xFFFF0000, v2;
	v1 =	vadd.f32 v1, v3;
	v3 =	vadd.f32 v12, v4  }
0x120: {  	v0 =	vadd.f32 v2, v0;
	v2 =	vand.u32 $0xFFFF0000, v7;
	v4 =	vshll.u32 v5, $0x10  }
0x121: {  	v1 =	vadd.f32 v2, v1;
	v2 =	vand.u32 $0xFFFF0000, v10;
	v3 =	vadd.f32 v4, v3  }
0x122: {  	v0 =	vadd.f32 v2, v0;
	v2 =	vand.u32 $0xFFFF0000, v5;
	v4 =	vshll.u32 v8, $0x10  }
0x123: {  	v1 =	vadd.f32 v2, v1;
	v2 =	vand.u32 $0xFFFF0000, v11;
	v3 =	vadd.f32 v4, v3  }
0x124: {  	v0 =	vadd.f32 v2, v0;
	v2 =	vand.u32 $0xFFFF0000, v8  }
0x125: {  	v1 =	vadd.f32 v2, v1;
	v2 =	vand.u32 $0xFFFF0000, v9;
	[tilespmem:s25+$0xFFFFFFD0] =	vst v3  }
0x126: {  	v0 =	vadd.f32 v2, v0  }
0x127: {  	[tilespmem:s25+$0xFFFFFFE0] =	vst v1  }
0x128: {  	[tilespmem:s25+$0x0] =	vst v0;
	s25 =	smov.u32 s29  }
0x129: {  	v0 =	vld [tilespmem:s28+$0xFFFFFE90]  }
0x12a: {  	v1 =	vld [tilespmem:s28+$0xFFFFFEA0]  }
0x12b: {  	v2 =	vld [tilespmem:s28+$0xFFFFFEB0]  }
0x12c: {  	v3 =	vld [tilespmem:s28+$0xFFFFFE80]  }
0x12d: {  	v4 =	vld [tilespmem:s28+$0xFFFFFED0]  }
0x12e: {  	v5 =	vld [tilespmem:s28+$0xFFFFFEC0]  }
0x12f: {  	v6 =	vshll.u32 v0, $0x10;
	v7 =	vld [tilespmem:s28+$0xFFFFFEF0]  }
0x130: {  	v0 =	vand.u32 $0xFFFF0000, v0;
	v8 =	vshll.u32 v2, $0x10;
	v2 =	vand.u32 $0xFFFF0000, v2;
	v9 =	vld [tilespmem:s28+$0xFFFFFEE0]  }
0x131: {  	v11 =	vshll.u32 v1, $0x10;
	v10 =	vand.u32 $0xFFFF0000, v3;
	v0 =	vadd.f32 v2, v0;
	v2 =	vld [tilespmem:s28+$0xFFFFFF10]  }
0x132: {  	v1 =	vand.u32 $0xFFFF0000, v1;
	v3 =	vshll.u32 v3, $0x10;
	v12 =	vshll.u32 v4, $0x10  }
0x133: {  	v3 =	vadd.f32 v11, v3;
	v4 =	vand.u32 $0xFFFF0000, v4;
	v11 =	vand.u32 $0xFFFF0000, v5  }
0x134: {  	v1 =	vadd.f32 v1, v10;
	v5 =	vshll.u32 v5, $0x10;
	v10 =	vshll.u32 v7, $0x10;
	v13 =	vld [tilespmem:s28+$0xFFFFFF00]  }
0x135: {  	v6 =	vadd.f32 v8, v6;
	v0 =	vadd.f32 v4, v0;
	v4 =	vshll.u32 v9, $0x10;
	v8 =	vld [tilespmem:s28+$0xFFFFFF30]  }
0x136: {  	v3 =	vadd.f32 v5, v3;
	v1 =	vadd.f32 v11, v1;
	v5 =	vand.u32 $0xFFFF0000, v7;
	v7 =	vld [tilespmem:s28+$0xFFFFFF20]  }
0x137: {  	v9 =	vand.u32 $0xFFFF0000, v9;
	v0 =	vadd.f32 v5, v0;
	v5 =	vshll.u32 v2, $0x10;
	v11 =	vld [tilespmem:s28+$0xFFFFFF50]  }
0x138: {  	v6 =	vadd.f32 v12, v6;
	v1 =	vadd.f32 v9, v1;
	v2 =	vand.u32 $0xFFFF0000, v2;
	v9 =	vld [tilespmem:s28+$0xFFFFFF40]  }
0x139: {  	v3 =	vadd.f32 v4, v3;
	v0 =	vadd.f32 v2, v0;
	v4 =	vshll.u32 v13, $0x10;
	v2 =	vld [tilespmem:s28+$0xFFFFFF70]  }
0x13a: {  	v6 =	vadd.f32 v10, v6;
	v10 =	vand.u32 $0xFFFF0000, v13;
	v12 =	vshll.u32 v8, $0x10  }
0x13b: {  	v3 =	vadd.f32 v4, v3;
	v8 =	vand.u32 $0xFFFF0000, v8;
	v4 =	vshll.u32 v7, $0x10  }
0x13c: {  	v5 =	vadd.f32 v5, v6;
	v0 =	vadd.f32 v8, v0;
	v6 =	vand.u32 $0xFFFF0000, v11;
	v8 =	vld [tilespmem:s28+$0xFFFFFF60]  }
0x13d: {  	v7 =	vand.u32 $0xFFFF0000, v7;
	v3 =	vadd.f32 v4, v3;
	v4 =	vshll.u32 v11, $0x10;
	v11 =	vld [tilespmem:s28+$0xFFFFFF90]  }
0x13e: {  	v1 =	vadd.f32 v10, v1;
	v10 =	vshll.u32 v9, $0x10;
	v13 =	vshll.u32 v2, $0x10;
	v14 =	vld [tilespmem:s28+$0xFFFFFF80]  }
0x13f: {  	v5 =	vadd.f32 v12, v5;
	v9 =	vand.u32 $0xFFFF0000, v9;
	v0 =	vadd.f32 v6, v0;
	v6 =	vld [tilespmem:s28+$0xFFFFFFB0]  }
0x140: {  	v1 =	vadd.f32 v7, v1;
	v3 =	vadd.f32 v10, v3;
	v2 =	vand.u32 $0xFFFF0000, v2;
	v7 =	vld [tilespmem:s28+$0xFFFFFFA0]  }
0x141: {  	v4 =	vadd.f32 v4, v5;
	v0 =	vadd.f32 v2, v0;
	v5 =	vshll.u32 v8, $0x10;
	v2 =	vld [tilespmem:s28+$0xFFFFFFD0]  }
0x142: {  	v1 =	vadd.f32 v9, v1;
	v8 =	vand.u32 $0xFFFF0000, v8;
	v9 =	vshll.u32 v11, $0x10  }
0x143: {  	v4 =	vadd.f32 v13, v4;
	v11 =	vand.u32 $0xFFFF0000, v11;
	v10 =	vshll.u32 v14, $0x10  }
0x144: {  	v3 =	vadd.f32 v5, v3;
	v0 =	vadd.f32 v11, v0;
	v5 =	vand.u32 $0xFFFF0000, v6;
	v11 =	vld [tilespmem:s28+$0xFFFFFFF0]  }
0x145: {  	v1 =	vadd.f32 v8, v1;
	v8 =	vand.u32 $0xFFFF0000, v14;
	v6 =	vshll.u32 v6, $0x10;
	v12 =	vld [tilespmem:s28+$0xFFFFFFC0]  }
0x146: {  	v4 =	vadd.f32 v9, v4;
	v9 =	vshll.u32 v7, $0x10;
	v13 =	vshll.u32 v2, $0x10  }
0x147: {  	v1 =	vadd.f32 v8, v1;
	v7 =	vand.u32 $0xFFFF0000, v7;
	v0 =	vadd.f32 v5, v0;
	v5 =	vld [tilespmem:s28+$0xFFFFFFE0]  }
0x148: {  	v3 =	vadd.f32 v10, v3;
	v4 =	vadd.f32 v6, v4;
	v2 =	vand.u32 $0xFFFF0000, v2  }
0x149: {  	v1 =	vadd.f32 v7, v1;
	v0 =	vadd.f32 v2, v0;
	v2 =	vand.u32 $0xFFFF0000, v11  }
0x14a: {  	v3 =	vadd.f32 v9, v3;
	v4 =	vadd.f32 v13, v4;
	v6 =	vand.u32 $0xFFFF0000, v12  }
0x14b: {  	v7 =	vshll.u32 v12, $0x10;
	v0 =	vadd.f32 v2, v0;
	v1 =	vadd.f32 v6, v1  }
0x14c: {  	v2 =	vadd.f32 v7, v3;
	v6 =	vshll.u32 v11, $0x10;
	v3 =	vand.u32 $0xFFFF0000, v5  }
0x14d: {  	v5 =	vshll.u32 v5, $0x10;
	v1 =	vadd.f32 v3, v1;
	v3 =	vadd.f32 v6, v4  }
0x14e: {  	v2 =	vadd.f32 v5, v2;
	[tilespmem:s29+$0xFFFFFFC0] =	vst v0  }
0x14f: {  	[tilespmem:s29+$0xFFFFFFB0] =	vst v3  }
0x150: {  	[tilespmem:s29+$0xFFFFFFA0] =	vst v1  }
0x151: {  	[tilespmem:s29+$0xFFFFFF90] =	vst v2  }
0x152: {  	v2 =	vld [tilespmem:s28+$0x40]  }
0x153: {  	v0 =	vld [tilespmem:s28+$0x10]  }
0x154: {  	v1 =	vld [tilespmem:s28+$0x20]  }
0x155: {  	v4 =	vld [tilespmem:s28+$0x30]  }
0x156: {  	v5 =	vld [tilespmem:s28+$0x50]  }
0x157: {  	v6 =	vld [tilespmem:s28+$0x70]  }
0x158: {  	v7 =	vshll.u32 v0, $0x10;
	v0 =	vand.u32 $0xFFFF0000, v0;
	v9 =	vld [tilespmem:s28+$0x90]  }
0x159: {  	v10 =	vshll.u32 v1, $0x10;
	v11 =	vand.u32 $0xFFFF0000, v1;
	v3 =	vld [tilespmem:s28+$0x60]  }
0x15a: {  	v12 =	vld [tilespmem:s28+$0x0];
	v1 =	vshll.u32 v4, $0x10;
	v4 =	vand.u32 $0xFFFF0000, v4  }
0x15b: {  	v1 =	vadd.f32 v1, v7;
	v7 =	vand.u32 $0xFFFF0000, v5  }
0x15c: {  	v0 =	vadd.f32 v4, v0;
	v4 =	vshll.u32 v5, $0x10  }
0x15d: {  	v13 =	vshll.u32 v2, $0x10;
	v4 =	vadd.f32 v4, v1;
	v1 =	vld [tilespmem:s28+$0xB0]  }
0x15e: {  	v0 =	vadd.f32 v7, v0;
	v7 =	vshll.u32 v6, $0x10;
	v5 =	vshll.u32 v3, $0x10  }
.Ltmp1:
0x15f: {  	v6 =	vand.u32 $0xFFFF0000, v6;
	v14 =	vshll.u32 v12, $0x10;
	v4 =	vadd.f32 v7, v4;
	v8 =	vld [tilespmem:s28+$0xD0];
	(pc) =	sbr.rel @p0 .LBB2_5-.Ltmp1, $4  }
0x160: {  	v15 =	vshll.u32 v9, $0x10;
	v12 =	vand.u32 $0xFFFF0000, v12;
	v6 =	vadd.f32 v6, v0;
	v0 =	vld [tilespmem:s28+$0xF0]  }
0x161: {  	v9 =	vand.u32 $0xFFFF0000, v9;
	v10 =	vadd.f32 v10, v14;
	v7 =	vld [tilespmem:s28+$0x80];
	v14 =	vadd.f32 v15, v4  }
0x162: {  	v11 =	vadd.f32 v11, v12;
	v4 =	vadd.f32 v9, v6;
	v6 =	vld [tilespmem:s28+$0xA0];
	v15 =	vshll.u32 v1, $0x10  }
0x163: {  	v12 =	vand.u32 $0xFFFF0000, v2;
	v9 =	vadd.f32 v13, v10;
	v10 =	vadd.f32 v15, v14;
	v2 =	vld [tilespmem:s28+$0x110]  }
0x164: {  	v11 =	vadd.f32 v12, v11;
	v29 =	vshll.u32 v8, $0x10  }
0x165: {  	v13 =	vld [tilespmem:s24+$0xC0];
	v30 =	vand.u32 $0xFFFF0000, v8;
	v3 =	vand.u32 $0xFFFF0000, v3;
	v1 =	vand.u32 $0xFFFF0000, v1  }
0x166: {  	v32 =	vld [tilespmem:s24+$0x130];
	v5 =	vadd.f32 v5, v9;
	v31 =	vadd.f32 v29, v10;
	v34 =	vshll.u32 v0, $0x10  }
0x167: {  	v36 =	vld [tilespmem:s24+$0x150];
	v1 =	vadd.f32 v1, v4;
	v50 =	vand.u32 $0xFFFF0000, v0;
	v33 =	vshll.u32 v7, $0x10  }
0x168: {  	v38 =	vld [tilespmem:s24+$0xE0];
	v3 =	vadd.f32 v3, v11;
	v35 =	vand.u32 $0xFFFF0000, v7;
	v5 =	vadd.f32 v33, v5  }
0x169: {  	v40 =	vld [tilespmem:s24+$0x170];
	v9 =	vadd.f32 v34, v31;
	v37 =	vshll.u32 v6, $0x10;
	v39 =	vand.u32 $0xFFFF0000, v6  }
0x16a: {  	v42 =	vld [tilespmem:s24+$0x100];
	v1 =	vadd.f32 v30, v1;
	v3 =	vadd.f32 v35, v3;
	v14 =	vshll.u32 v2, $0x10  }
0x16b: {  	v44 =	vld [tilespmem:s24+$0x120];
	v54 =	vand.u32 $0xFFFF0000, v2;
	v5 =	vadd.f32 v37, v5;
	v9 =	vadd.f32 v14, v9  }
0x16c: {  	v41 =	vshll.u32 v13, $0x10;
	v15 =	vshll.u32 v32, $0x10;
	v13 =	vand.u32 $0xFFFF0000, v13  }
0x16d: {  	v45 =	vshll.u32 v36, $0x10;
	v46 =	vshll.u32 v38, $0x10;
	v3 =	vadd.f32 v39, v3  }
0x16e: {  	v47 =	vld [tilespmem:s24+$0x140];
	v12 =	vand.u32 $0xFFFF0000, v38;
	v48 =	vshll.u32 v40, $0x10;
	v5 =	vadd.f32 v41, v5  }
0x16f: {  	v49 =	vshll.u32 v42, $0x10;
	v0 =	vadd.f32 v50, v1;
	v3 =	vadd.f32 v13, v3  }
0x170: {  	v52 =	vand.u32 $0xFFFF0000, v42;
	v53 =	vshll.u32 v44, $0x10;
	v4 =	vadd.f32 v46, v5  }
0x171: {  	v56 =	vand.u32 $0xFFFF0000, v44;
	v0 =	vadd.f32 v54, v0;
	v3 =	vadd.f32 v12, v3  }
0x172: {  	v51 =	vld [tilespmem:s24+$0x160];
	v58 =	vand.u32 $0xFFFF0000, v32;
	v43 =	vadd.f32 v15, v9;
	v4 =	vadd.f32 v49, v4  }
0x173: {  	v57 =	vshll.u32 v47, $0x10;
	v0 =	vadd.f32 v58, v0;
	v1 =	vadd.f32 v52, v3  }
0x174: {  	v61 =	vand.u32 $0xFFFF0000, v36;
	v6 =	vadd.f32 v45, v43;
	v55 =	vadd.f32 v53, v4  }
0x175: {  	s23 =	sadd.s32 $0x1, s23;
	v59 =	vand.u32 $0xFFFF0000, v47;
	v0 =	vadd.f32 v61, v0;
	v1 =	vadd.f32 v56, v1  }
0x176: {  	p0 =	sne.s32 s23, $0x8;
	v63 =	vand.u32 $0xFFFF0000, v40;
	v6 =	vadd.f32 v48, v6;
	v3 =	vadd.f32 v57, v55  }
.Ltmp2:
0x177: {  	v60 =	vshll.u32 v51, $0x10;
	v0 =	vadd.f32 v63, v0;
	v1 =	vadd.f32 v59, v1;
	(pc) =	sbr.rel @p0 .LBB2_2-.Ltmp2, $4  }
0x178: {  	v62 =	vand.u32 $0xFFFF0000, v51;
	[tilespmem:s25+$0xFFFFFFF0] =	vst v6;
	v3 =	vadd.f32 v60, v3  }
0x179: {  	[tilespmem:s25+$0x0] =	vst v0;
	v1 =	vadd.f32 v62, v1  }
0x17a: {  	[tilespmem:s25+$0xFFFFFFD0] =	vst v3  }
0x17b: {  	s21 =	sadd.s32 $0x1000, s21;
	s22 =	sadd.s32 $0x1000, s22;
	[tilespmem:s25+$0xFFFFFFE0] =	vst v1  }
0x17c: {  	s20 =	sadd.s32 $0x1, s20  }
0x17d: {  	p0 =	sne.s32 s20, s6  }
.Ltmp3:
0x17e: {  	_ = 	snop;
	(pc) =	sbr.rel @p0 .LBB2_1-.Ltmp3, $4  }
0x17f: {  	[hbm4b:s5+s18] =	stream.strided.scatter [tilespmem:s19], [sflag:$0x3], $0x8000, s8, s18, $0x38;
	[tilespmem:$0xF800] =	vst v63  }
0x180: {  	_ =	swait.ge [sflag:s7], $0x8000  }
0x181: {  	[sflag:s7] =	ssyncset.done $0x0  }
0x182: {  	[sflag:s7] =	ssyncadd.s32 $0xFFFF8000  }
0x183: {  	_ =	sfence.sel $0x180000  }
0x184: {  	[bflag:$0x0] =	sbarrier.arrive $0xFFFF  }
0x185: {  	p0 =	sne.s32 s0, $0x0;
	_ =	strace $0x90000047  }
0x186: {  	s0 =	sadd.s32 @!p0 $0x100000, s1;
	[bflag:$0x2] =	sbarrier.arrive $0xFFFF  }
0x187: {  	[sflag:s0] =	ssyncadd.tile.s32 @!p0 $0x1;
	_ =	shalt  }
.Lfunc_end2:
_tile_overlayer_lowered:
.L_overlay_start_2:
0x188: {  	(tag) =	ssettag $0x2  }
0x189: {  	s0 =	rddreg [dreg:$0x0];
	s2 =	stileid.u32  }
0x18a: {  	s1 =	rddreg [dreg:$0x1];
	p0 =	sne.s32 s2, $0x0  }
0x18b: {  	s3 =	rddreg [dreg:$0x2];
	[bflag:$0x3] =	sbarrier.arrive $0xFFFF;
	s2 =	simm.s32 @!p0 $0x1C03  }
0x18c: {  	[timem:s3], [sflag:s2] =	dma.local @!p0 [hbm:s0], s1  }
0x18d: {  	s0 =	simm.s32 @!p0 $0x3  }
0x18e: {  	_ =	swait.ge @!p0 [sflag:s0], s1  }
0x18f: {  	s1 =	ssub.s32 @!p0 $0x0, s1;
	[sflag:s0] =	ssyncset.done @!p0 $0x0  }
0x190: {  	[sflag:s0] =	ssyncadd.s32 @!p0 s1  }
0x191: {  	[bflag:$0x3] =	sbarrier.arrive $0xFFFF  }
0x192: {  	_ =	shalt  }

</sc_bundles>
